<compile_context>
chip_gen: v7x
topology: tpu7x:2x2x1
jax: 0.10.2.dev20260603
libtpu: 0.0.44.dev20260713+nightly
codegen_flags: <defaults>
</compile_context>

<pallas_src>
import functools

import jax
import jax.numpy as jnp
from jax import lax
from jax.experimental import pallas as pl
from jax.experimental.pallas import tpu as pltpu
from jax.experimental.pallas import tpu_sc as plsc

N_NODES = 10000
N_EDGES = 320000
FEAT = 128
NC = 2
NS = 16
NW = NC * NS
L = 16

CHUNK = 128
NCHUNKS = N_EDGES // CHUNK
N_ACC = 10112
ROWS_PER_TILE = N_ACC // NS
ZFULL = ROWS_PER_TILE // CHUNK
ZREM = ROWS_PER_TILE - ZFULL * CHUNK

STEPS = NCHUNKS // NW
NTAIL = NCHUNKS - STEPS * NW
NSLOT = 3

_mesh = plsc.VectorSubcoreMesh(core_axis_name="c", subcore_axis_name="s")


@functools.partial(
    pl.kernel,
    out_type=jax.ShapeDtypeStruct((NC, N_ACC, FEAT), jnp.float32),
    mesh=_mesh,
    scratch_types=[
        pltpu.VMEM((CHUNK,), jnp.int32),
        pltpu.VMEM((CHUNK,), jnp.int32),
        pltpu.VMEM((CHUNK,), jnp.int32),
        pltpu.VMEM((CHUNK, FEAT), jnp.float32),
        pltpu.VMEM((CHUNK, FEAT), jnp.float32),
        pltpu.VMEM((CHUNK, FEAT), jnp.float32),
        pltpu.VMEM_SHARED((N_ACC, FEAT), jnp.float32),
        pltpu.SemaphoreType.DMA,
        pltpu.SemaphoreType.DMA,
        pltpu.SemaphoreType.DMA,
    ],
)
def _sc_scatter_add(ei_hbm, msg_hbm, out_hbm, idx0, idx1, idx2,
                    rows0, rows1, rows2, acc_sh,
                    lsem0, lsem1, lsem2):
    cid = lax.axis_index("c")
    sid = lax.axis_index("s")
    wid = sid * NC + cid

    idx_b = (idx0, idx1, idx2)
    rows_b = (rows0, rows1, rows2)
    lsem_b = (lsem0, lsem1, lsem2)

    dst_hbm = ei_hbm.at[1]

    def start_loads(ci, b):
        base = ci * CHUNK
        pltpu.async_copy(dst_hbm.at[pl.ds(base, CHUNK)], idx_b[b], lsem_b[b])
        pltpu.async_copy(msg_hbm.at[pl.ds(base, CHUNK)], rows_b[b], lsem_b[b])

    def wait_loads(ci, b):
        base = ci * CHUNK
        pltpu.make_async_copy(
            dst_hbm.at[pl.ds(base, CHUNK)], idx_b[b], lsem_b[b]).wait()
        pltpu.make_async_copy(
            msg_hbm.at[pl.ds(base, CHUNK)], rows_b[b], lsem_b[b]).wait()

    def scatter(b):
        pltpu.sync_copy(rows_b[b], acc_sh.at[idx_b[b]], add=True)

    for b in range(1, NSLOT):
        start_loads(wid + b * NW, b)

    @pl.loop(0, CHUNK)
    def _(r):
        @pl.loop(0, FEAT, step=L)
        def _(f):
            rows0[r, pl.ds(f, L)] = jnp.zeros((L,), jnp.float32)

    row0 = sid * ROWS_PER_TILE
    for b in range(ZFULL):
        pltpu.sync_copy(rows0, acc_sh.at[pl.ds(row0 + b * CHUNK, CHUNK)])
    pltpu.sync_copy(rows0.at[pl.ds(0, ZREM)],
                    acc_sh.at[pl.ds(row0 + ZFULL * CHUNK, ZREM)])
    start_loads(wid, 0)
    plsc.subcore_barrier()

    @pl.loop(0, STEPS // NSLOT - 1)
    def _(r):
        c0 = wid + (NSLOT * r) * NW
        for b in range(NSLOT):
            wait_loads(c0 + b * NW, b)
            scatter(b)
            start_loads(c0 + (b + NSLOT) * NW, b)

    c_last = wid + (STEPS - NSLOT) * NW
    for b in range(NSLOT):
        wait_loads(c_last + b * NW, b)
        scatter(b)

    @pl.when(wid < NTAIL)
    def _():
        c = STEPS * NW + wid
        base = c * CHUNK
        pltpu.sync_copy(dst_hbm.at[pl.ds(base, CHUNK)], idx0)
        pltpu.sync_copy(msg_hbm.at[pl.ds(base, CHUNK)], rows0)
        pltpu.sync_copy(rows0, acc_sh.at[idx0], add=True)

    plsc.subcore_barrier()

    pltpu.sync_copy(
        acc_sh.at[pl.ds(row0, ROWS_PER_TILE)],
        out_hbm.at[cid].at[pl.ds(row0, ROWS_PER_TILE)],
    )


def _tc_add_body(a_ref, b_ref, o_ref):
    o_ref[...] = a_ref[:N_NODES] + b_ref[:N_NODES]


_tc_add = pl.pallas_call(
    _tc_add_body,
    out_shape=jax.ShapeDtypeStruct((N_NODES, FEAT), jnp.float32),
)


@jax.jit
def kernel(messages, edge_index):
    ei = edge_index.astype(jnp.int32)
    partials = _sc_scatter_add(ei, messages)
    return _tc_add(partials[0], partials[1])

# --- scband reference (transcript-rebuilt; emitter-appended) ---
"""Pipeline reference for scband-sagestage3-reduce-sum-51994874085795 (READ-ONLY COPY).

The authoritative reference and input builder live on the scoring server;
editing this copy changes nothing except your own understanding.
"""

import jax, jax.numpy as jnp
import numpy as np

NUM_NODES = 10000
NUM_EDGES = 320000
FEAT_DIM = 128

def setup_inputs(seed: int = 0) -> dict:
    key = jax.random.key(seed)
    k1, k2 = jax.random.split(key)
    messages = jax.random.normal(k1, (NUM_EDGES, FEAT_DIM), dtype=jnp.float32)
    edge_index = jax.random.randint(k2, (2, NUM_EDGES), 0, NUM_NODES, dtype=jnp.int64)
    return {"messages": messages, "edge_index": edge_index}

def reference(messages, edge_index):
    # Stage 3: REDUCE_SUM - sum-aggregate edge messages into destination nodes
    target_nodes = edge_index[1]
    out = jnp.zeros((NUM_NODES, messages.shape[1]), dtype=messages.dtype)
    out = out.at[target_nodes].add(messages)
    return out

if __name__ == "__main__":
    import jax
    _d = setup_inputs()
    print(jax.jit(kernel)(*tuple(_d.values())))

</pallas_src>

<mosaic_0001>
#map = affine_map<(d0, d1) -> (0, 0)>
#map1 = affine_map<(d0, d1) -> (0, 0, 0)>
module attributes {stable_mosaic.version = 14 : i64} {
  func.func @_sc_scatter_add(%arg0: i32, %arg1: i32, %arg2: memref<2x320000xi32, #tpu.memory_space<hbm>>, %arg3: memref<320000x128xf32, #tpu.memory_space<hbm>>, %arg4: memref<2x10112x128xf32, #tpu.memory_space<hbm>>, %arg5: memref<128xi32, #tpu.memory_space<vmem>>, %arg6: memref<128xi32, #tpu.memory_space<vmem>>, %arg7: memref<128xi32, #tpu.memory_space<vmem>>, %arg8: memref<128x128xf32, #tpu.memory_space<vmem>>, %arg9: memref<128x128xf32, #tpu.memory_space<vmem>>, %arg10: memref<128x128xf32, #tpu.memory_space<vmem>>, %arg11: memref<10112x128xf32, #tpu.memory_space<vmem_shared>>, %arg12: memref<!tpu.dma_semaphore, #tpu.memory_space<semaphore_mem>>, %arg13: memref<!tpu.dma_semaphore, #tpu.memory_space<semaphore_mem>>, %arg14: memref<!tpu.dma_semaphore, #tpu.memory_space<semaphore_mem>>) attributes {dimension_semantics = [#tpu.dimension_semantics<core_parallel>, #tpu.dimension_semantics<subcore_parallel>], iteration_bounds = array<i64: 2, 16>, scalar_prefetch = 0 : i64, scratch_operands = 10 : i64, tpu.core_type = #tpu.core_type<sc_vector_subcore>, window_params = [{transform_indices = #map}, {transform_indices = #map}, {transform_indices = #map1}]} {
    %mul3A = arith.constant 2 : i32
    %mul3A_0 = arith.muli %arg1, %mul3A : i32
    %add3A = arith.addi %mul3A_0, %arg0 : i32
    %add3A_1 = arith.constant 32 : i32
    %add3A_2 = arith.addi %add3A, %add3A_1 : i32
    %mul3A_3 = arith.constant 128 : i32
    %mul3A_4 = arith.muli %add3A_2, %mul3A_3 : i32
    %dma_start3A = arith.constant 1 : i32
    %dma_start3A_5 = arith.constant 0 : i32
    %dma_start3A_6 = tpu.memref_slice %arg2[%dma_start3A, %dma_start3A_5] : memref<2x320000xi32, #tpu.memory_space<hbm>> -> memref<1x320000xi32, #tpu.memory_space<hbm>>
    %dma_start3A_7 = tpu.memref_squeeze %dma_start3A_6 : memref<1x320000xi32, #tpu.memory_space<hbm>> -> memref<320000xi32, #tpu.memory_space<hbm>>
    %dma_start3A_8 = tpu.memref_slice %dma_start3A_7[%mul3A_4] : memref<320000xi32, #tpu.memory_space<hbm>> -> memref<128xi32, #tpu.memory_space<hbm>>
    %dma_start3A_9 = arith.constant 0 : i32
    %dma_start3A_10 = tpu.memref_slice %arg2[%dma_start3A, %dma_start3A_9] : memref<2x320000xi32, #tpu.memory_space<hbm>> -> memref<1x320000xi32, #tpu.memory_space<hbm>>
    %dma_start3A_11 = tpu.memref_squeeze %dma_start3A_10 : memref<1x320000xi32, #tpu.memory_space<hbm>> -> memref<320000xi32, #tpu.memory_space<hbm>>
    %dma_start3A_12 = tpu.memref_slice %dma_start3A_11[%mul3A_4] : memref<320000xi32, #tpu.memory_space<hbm>> -> memref<128xi32, #tpu.memory_space<hbm>>
    tpu.enqueue_dma source(%dma_start3A_12 : memref<128xi32, #tpu.memory_space<hbm>>) target(%arg6 : memref<128xi32, #tpu.memory_space<vmem>>) target_semaphore(%arg13 : memref<!tpu.dma_semaphore, #tpu.memory_space<semaphore_mem>>)
    %dma_start3A_13 = arith.constant 0 : i32
    %dma_start3A_14 = tpu.memref_slice %arg3[%mul3A_4, %dma_start3A_13] : memref<320000x128xf32, #tpu.memory_space<hbm>> -> memref<128x128xf32, #tpu.memory_space<hbm>>
    %dma_start3A_15 = arith.constant 0 : i32
    %dma_start3A_16 = tpu.memref_slice %arg3[%mul3A_4, %dma_start3A_15] : memref<320000x128xf32, #tpu.memory_space<hbm>> -> memref<128x128xf32, #tpu.memory_space<hbm>>
    tpu.enqueue_dma source(%dma_start3A_16 : memref<128x128xf32, #tpu.memory_space<hbm>>) target(%arg9 : memref<128x128xf32, #tpu.memory_space<vmem>>) target_semaphore(%arg13 : memref<!tpu.dma_semaphore, #tpu.memory_space<semaphore_mem>>)
    %add3A_17 = arith.constant 64 : i32
    %add3A_18 = arith.addi %add3A, %add3A_17 : i32
    %mul3A_19 = arith.constant 128 : i32
    %mul3A_20 = arith.muli %add3A_18, %mul3A_19 : i32
    %dma_start3A_21 = arith.constant 1 : i32
    %dma_start3A_22 = arith.constant 0 : i32
    %dma_start3A_23 = tpu.memref_slice %arg2[%dma_start3A_21, %dma_start3A_22] : memref<2x320000xi32, #tpu.memory_space<hbm>> -> memref<1x320000xi32, #tpu.memory_space<hbm>>
    %dma_start3A_24 = tpu.memref_squeeze %dma_start3A_23 : memref<1x320000xi32, #tpu.memory_space<hbm>> -> memref<320000xi32, #tpu.memory_space<hbm>>
    %dma_start3A_25 = tpu.memref_slice %dma_start3A_24[%mul3A_20] : memref<320000xi32, #tpu.memory_space<hbm>> -> memref<128xi32, #tpu.memory_space<hbm>>
    %dma_start3A_26 = arith.constant 0 : i32
    %dma_start3A_27 = tpu.memref_slice %arg2[%dma_start3A_21, %dma_start3A_26] : memref<2x320000xi32, #tpu.memory_space<hbm>> -> memref<1x320000xi32, #tpu.memory_space<hbm>>
    %dma_start3A_28 = tpu.memref_squeeze %dma_start3A_27 : memref<1x320000xi32, #tpu.memory_space<hbm>> -> memref<320000xi32, #tpu.memory_space<hbm>>
    %dma_start3A_29 = tpu.memref_slice %dma_start3A_28[%mul3A_20] : memref<320000xi32, #tpu.memory_space<hbm>> -> memref<128xi32, #tpu.memory_space<hbm>>
    tpu.enqueue_dma source(%dma_start3A_29 : memref<128xi32, #tpu.memory_space<hbm>>) target(%arg7 : memref<128xi32, #tpu.memory_space<vmem>>) target_semaphore(%arg14 : memref<!tpu.dma_semaphore, #tpu.memory_space<semaphore_mem>>)
    %dma_start3A_30 = arith.constant 0 : i32
    %dma_start3A_31 = tpu.memref_slice %arg3[%mul3A_20, %dma_start3A_30] : memref<320000x128xf32, #tpu.memory_space<hbm>> -> memref<128x128xf32, #tpu.memory_space<hbm>>
    %dma_start3A_32 = arith.constant 0 : i32
    %dma_start3A_33 = tpu.memref_slice %arg3[%mul3A_20, %dma_start3A_32] : memref<320000x128xf32, #tpu.memory_space<hbm>> -> memref<128x128xf32, #tpu.memory_space<hbm>>
    tpu.enqueue_dma source(%dma_start3A_33 : memref<128x128xf32, #tpu.memory_space<hbm>>) target(%arg10 : memref<128x128xf32, #tpu.memory_space<vmem>>) target_semaphore(%arg14 : memref<!tpu.dma_semaphore, #tpu.memory_space<semaphore_mem>>)
    %scan3A = arith.constant 0 : i32
    %scan3A_34 = arith.constant 128 : i32
    %scan3A_35 = arith.addi %scan3A, %scan3A_34 : i32
    %scan3A_36 = arith.constant 1 : i32
    scf.for %scan3A_127 = %scan3A to %scan3A_35 step %scan3A_36  : i32 {
      %mul3A_128 = arith.constant 1 : i32
      %mul3A_129 = arith.muli %scan3A_127, %mul3A_128 : i32
      %add3A_130 = arith.constant 0 : i32
      %add3A_131 = arith.addi %add3A_130, %mul3A_129 : i32
      %scan3A_132 = arith.constant 0 : i32
      %scan3A_133 = arith.constant 8 : i32
      %scan3A_134 = arith.addi %scan3A_132, %scan3A_133 : i32
      %scan3A_135 = arith.constant 1 : i32
      scf.for %scan3A_137 = %scan3A_132 to %scan3A_134 step %scan3A_135  : i32 {
        %mul3A_138 = arith.constant 16 : i32
        %mul3A_139 = arith.muli %scan3A_137, %mul3A_138 : i32
        %add3A_140 = arith.constant 0 : i32
        %add3A_141 = arith.addi %add3A_140, %mul3A_139 : i32
        %broadcast_in_dim3A = arith.constant 0.000000e+00 : f32
        %broadcast_in_dim3A_142 = vector.broadcast %broadcast_in_dim3A : f32 to vector<16xf32>
        %swap3A = arith.index_cast %add3A_131 : i32 to index
        %swap3A_143 = arith.index_cast %add3A_141 : i32 to index
        %swap3A_144 = tpu.vector_load %arg8[%swap3A, %swap3A_143] {strides = array<i32>} : memref<128x128xf32, #tpu.memory_space<vmem>>, vector<1x16xf32>,
        %swap3A_145 = vector.shape_cast %swap3A_144 : vector<1x16xf32> to vector<16xf32>
        %swap3A_146 = vector.shape_cast %broadcast_in_dim3A_142 : vector<16xf32> to vector<1x16xf32>
        tpu.vector_store %arg8[%swap3A, %swap3A_143], %swap3A_146 {strides = array<i32>} : memref<128x128xf32, #tpu.memory_space<vmem>>, vector<1x16xf32>,
      }
      %scan3A_136 = arith.constant 8 : i32
    }
    %scan3A_37 = arith.constant 128 : i32
    %mul3A_38 = arith.constant 632 : i32
    %mul3A_39 = arith.muli %arg1, %mul3A_38 : i32
    %add3A_40 = arith.constant 0 : i32
    %add3A_41 = arith.addi %mul3A_39, %add3A_40 : i32
    "tpu.region"() ({
      %run_scoped3A = tpu.sem_alloc : memref<!tpu.dma_semaphore, #tpu.memory_space<semaphore_mem>>
      %dma_start3A_127 = arith.constant 0 : i32
      %dma_start3A_128 = tpu.memref_slice %arg11[%add3A_41, %dma_start3A_127] : memref<10112x128xf32, #tpu.memory_space<vmem_shared>> -> memref<128x128xf32, #tpu.memory_space<vmem_shared>>
      %dma_start3A_129 = arith.constant 0 : i32
      %dma_start3A_130 = tpu.memref_slice %arg11[%add3A_41, %dma_start3A_129] : memref<10112x128xf32, #tpu.memory_space<vmem_shared>> -> memref<128x128xf32, #tpu.memory_space<vmem_shared>>
      tpu.enqueue_dma source(%arg8 : memref<128x128xf32, #tpu.memory_space<vmem>>) target(%dma_start3A_130 : memref<128x128xf32, #tpu.memory_space<vmem_shared>>) target_semaphore(%run_scoped3A : memref<!tpu.dma_semaphore, #tpu.memory_space<semaphore_mem>>)
      %dma_wait3A_131 = arith.constant 0 : i32
      %dma_wait3A_132 = tpu.memref_slice %arg11[%add3A_41, %dma_wait3A_131] : memref<10112x128xf32, #tpu.memory_space<vmem_shared>> -> memref<128x128xf32, #tpu.memory_space<vmem_shared>>
      %dma_wait3A_133 = arith.constant 0 : i32
      %dma_wait3A_134 = tpu.memref_slice %arg11[%add3A_41, %dma_wait3A_133] : memref<10112x128xf32, #tpu.memory_space<vmem_shared>> -> memref<128x128xf32, #tpu.memory_space<vmem_shared>>
      tpu.wait_dma2 semaphore(%run_scoped3A : memref<!tpu.dma_semaphore, #tpu.memory_space<semaphore_mem>>) src(%arg8 : memref<128x128xf32, #tpu.memory_space<vmem>>) dst(%dma_wait3A_134 : memref<128x128xf32, #tpu.memory_space<vmem_shared>>)
      tpu.yield
    }) : () -> ()
    %add3A_42 = arith.constant 128 : i32
    %add3A_43 = arith.addi %mul3A_39, %add3A_42 : i32
    "tpu.region"() ({
      %run_scoped3A = tpu.sem_alloc : memref<!tpu.dma_semaphore, #tpu.memory_space<semaphore_mem>>
      %dma_start3A_127 = arith.constant 0 : i32
      %dma_start3A_128 = tpu.memref_slice %arg11[%add3A_43, %dma_start3A_127] : memref<10112x128xf32, #tpu.memory_space<vmem_shared>> -> memref<128x128xf32, #tpu.memory_space<vmem_shared>>
      %dma_start3A_129 = arith.constant 0 : i32
      %dma_start3A_130 = tpu.memref_slice %arg11[%add3A_43, %dma_start3A_129] : memref<10112x128xf32, #tpu.memory_space<vmem_shared>> -> memref<128x128xf32, #tpu.memory_space<vmem_shared>>
      tpu.enqueue_dma source(%arg8 : memref<128x128xf32, #tpu.memory_space<vmem>>) target(%dma_start3A_130 : memref<128x128xf32, #tpu.memory_space<vmem_shared>>) target_semaphore(%run_scoped3A : memref<!tpu.dma_semaphore, #tpu.memory_space<semaphore_mem>>)
      %dma_wait3A_131 = arith.constant 0 : i32
      %dma_wait3A_132 = tpu.memref_slice %arg11[%add3A_43, %dma_wait3A_131] : memref<10112x128xf32, #tpu.memory_space<vmem_shared>> -> memref<128x128xf32, #tpu.memory_space<vmem_shared>>
      %dma_wait3A_133 = arith.constant 0 : i32
      %dma_wait3A_134 = tpu.memref_slice %arg11[%add3A_43, %dma_wait3A_133] : memref<10112x128xf32, #tpu.memory_space<vmem_shared>> -> memref<128x128xf32, #tpu.memory_space<vmem_shared>>
      tpu.wait_dma2 semaphore(%run_scoped3A : memref<!tpu.dma_semaphore, #tpu.memory_space<semaphore_mem>>) src(%arg8 : memref<128x128xf32, #tpu.memory_space<vmem>>) dst(%dma_wait3A_134 : memref<128x128xf32, #tpu.memory_space<vmem_shared>>)
      tpu.yield
    }) : () -> ()
    %add3A_44 = arith.constant 256 : i32
    %add3A_45 = arith.addi %mul3A_39, %add3A_44 : i32
    "tpu.region"() ({
      %run_scoped3A = tpu.sem_alloc : memref<!tpu.dma_semaphore, #tpu.memory_space<semaphore_mem>>
      %dma_start3A_127 = arith.constant 0 : i32
      %dma_start3A_128 = tpu.memref_slice %arg11[%add3A_45, %dma_start3A_127] : memref<10112x128xf32, #tpu.memory_space<vmem_shared>> -> memref<128x128xf32, #tpu.memory_space<vmem_shared>>
      %dma_start3A_129 = arith.constant 0 : i32
      %dma_start3A_130 = tpu.memref_slice %arg11[%add3A_45, %dma_start3A_129] : memref<10112x128xf32, #tpu.memory_space<vmem_shared>> -> memref<128x128xf32, #tpu.memory_space<vmem_shared>>
      tpu.enqueue_dma source(%arg8 : memref<128x128xf32, #tpu.memory_space<vmem>>) target(%dma_start3A_130 : memref<128x128xf32, #tpu.memory_space<vmem_shared>>) target_semaphore(%run_scoped3A : memref<!tpu.dma_semaphore, #tpu.memory_space<semaphore_mem>>)
      %dma_wait3A_131 = arith.constant 0 : i32
      %dma_wait3A_132 = tpu.memref_slice %arg11[%add3A_45, %dma_wait3A_131] : memref<10112x128xf32, #tpu.memory_space<vmem_shared>> -> memref<128x128xf32, #tpu.memory_space<vmem_shared>>
      %dma_wait3A_133 = arith.constant 0 : i32
      %dma_wait3A_134 = tpu.memref_slice %arg11[%add3A_45, %dma_wait3A_133] : memref<10112x128xf32, #tpu.memory_space<vmem_shared>> -> memref<128x128xf32, #tpu.memory_space<vmem_shared>>
      tpu.wait_dma2 semaphore(%run_scoped3A : memref<!tpu.dma_semaphore, #tpu.memory_space<semaphore_mem>>) src(%arg8 : memref<128x128xf32, #tpu.memory_space<vmem>>) dst(%dma_wait3A_134 : memref<128x128xf32, #tpu.memory_space<vmem_shared>>)
      tpu.yield
    }) : () -> ()
    %add3A_46 = arith.constant 384 : i32
    %add3A_47 = arith.addi %mul3A_39, %add3A_46 : i32
    "tpu.region"() ({
      %run_scoped3A = tpu.sem_alloc : memref<!tpu.dma_semaphore, #tpu.memory_space<semaphore_mem>>
      %dma_start3A_127 = arith.constant 0 : i32
      %dma_start3A_128 = tpu.memref_slice %arg11[%add3A_47, %dma_start3A_127] : memref<10112x128xf32, #tpu.memory_space<vmem_shared>> -> memref<128x128xf32, #tpu.memory_space<vmem_shared>>
      %dma_start3A_129 = arith.constant 0 : i32
      %dma_start3A_130 = tpu.memref_slice %arg11[%add3A_47, %dma_start3A_129] : memref<10112x128xf32, #tpu.memory_space<vmem_shared>> -> memref<128x128xf32, #tpu.memory_space<vmem_shared>>
      tpu.enqueue_dma source(%arg8 : memref<128x128xf32, #tpu.memory_space<vmem>>) target(%dma_start3A_130 : memref<128x128xf32, #tpu.memory_space<vmem_shared>>) target_semaphore(%run_scoped3A : memref<!tpu.dma_semaphore, #tpu.memory_space<semaphore_mem>>)
      %dma_wait3A_131 = arith.constant 0 : i32
      %dma_wait3A_132 = tpu.memref_slice %arg11[%add3A_47, %dma_wait3A_131] : memref<10112x128xf32, #tpu.memory_space<vmem_shared>> -> memref<128x128xf32, #tpu.memory_space<vmem_shared>>
      %dma_wait3A_133 = arith.constant 0 : i32
      %dma_wait3A_134 = tpu.memref_slice %arg11[%add3A_47, %dma_wait3A_133] : memref<10112x128xf32, #tpu.memory_space<vmem_shared>> -> memref<128x128xf32, #tpu.memory_space<vmem_shared>>
      tpu.wait_dma2 semaphore(%run_scoped3A : memref<!tpu.dma_semaphore, #tpu.memory_space<semaphore_mem>>) src(%arg8 : memref<128x128xf32, #tpu.memory_space<vmem>>) dst(%dma_wait3A_134 : memref<128x128xf32, #tpu.memory_space<vmem_shared>>)
      tpu.yield
    }) : () -> ()
    %add3A_48 = arith.constant 512 : i32
    %add3A_49 = arith.addi %mul3A_39, %add3A_48 : i32
    "tpu.region"() ({
      %run_scoped3A = tpu.sem_alloc : memref<!tpu.dma_semaphore, #tpu.memory_space<semaphore_mem>>
      %dma_start3A_127 = arith.constant 0 : i32
      %dma_start3A_128 = arith.constant 0 : i32
      %dma_start3A_129 = tpu.memref_slice %arg8[%dma_start3A_127, %dma_start3A_128] : memref<128x128xf32, #tpu.memory_space<vmem>> -> memref<120x128xf32, #tpu.memory_space<vmem>>
      %dma_start3A_130 = arith.constant 0 : i32
      %dma_start3A_131 = tpu.memref_slice %arg11[%add3A_49, %dma_start3A_130] : memref<10112x128xf32, #tpu.memory_space<vmem_shared>> -> memref<120x128xf32, #tpu.memory_space<vmem_shared>>
      %dma_start3A_132 = arith.constant 0 : i32
      %dma_start3A_133 = tpu.memref_slice %arg11[%add3A_49, %dma_start3A_132] : memref<10112x128xf32, #tpu.memory_space<vmem_shared>> -> memref<120x128xf32, #tpu.memory_space<vmem_shared>>
      %dma_start3A_134 = arith.constant 0 : i32
      %dma_start3A_135 = arith.constant 0 : i32
      %dma_start3A_136 = tpu.memref_slice %arg8[%dma_start3A_134, %dma_start3A_135] : memref<128x128xf32, #tpu.memory_space<vmem>> -> memref<120x128xf32, #tpu.memory_space<vmem>>
      tpu.enqueue_dma source(%dma_start3A_136 : memref<120x128xf32, #tpu.memory_space<vmem>>) target(%dma_start3A_133 : memref<120x128xf32, #tpu.memory_space<vmem_shared>>) target_semaphore(%run_scoped3A : memref<!tpu.dma_semaphore, #tpu.memory_space<semaphore_mem>>)
      %dma_wait3A_137 = arith.constant 0 : i32
      %dma_wait3A_138 = arith.constant 0 : i32
      %dma_wait3A_139 = tpu.memref_slice %arg8[%dma_wait3A_137, %dma_wait3A_138] : memref<128x128xf32, #tpu.memory_space<vmem>> -> memref<120x128xf32, #tpu.memory_space<vmem>>
      %dma_wait3A_140 = arith.constant 0 : i32
      %dma_wait3A_141 = tpu.memref_slice %arg11[%add3A_49, %dma_wait3A_140] : memref<10112x128xf32, #tpu.memory_space<vmem_shared>> -> memref<120x128xf32, #tpu.memory_space<vmem_shared>>
      %dma_wait3A_142 = arith.constant 0 : i32
      %dma_wait3A_143 = tpu.memref_slice %arg11[%add3A_49, %dma_wait3A_142] : memref<10112x128xf32, #tpu.memory_space<vmem_shared>> -> memref<120x128xf32, #tpu.memory_space<vmem_shared>>
      %dma_wait3A_144 = arith.constant 0 : i32
      %dma_wait3A_145 = arith.constant 0 : i32
      %dma_wait3A_146 = tpu.memref_slice %arg8[%dma_wait3A_144, %dma_wait3A_145] : memref<128x128xf32, #tpu.memory_space<vmem>> -> memref<120x128xf32, #tpu.memory_space<vmem>>
      tpu.wait_dma2 semaphore(%run_scoped3A : memref<!tpu.dma_semaphore, #tpu.memory_space<semaphore_mem>>) src(%dma_wait3A_146 : memref<120x128xf32, #tpu.memory_space<vmem>>) dst(%dma_wait3A_143 : memref<120x128xf32, #tpu.memory_space<vmem_shared>>)
      tpu.yield
    }) : () -> ()
    %mul3A_50 = arith.constant 128 : i32
    %mul3A_51 = arith.muli %add3A, %mul3A_50 : i32
    %dma_start3A_52 = arith.constant 1 : i32
    %dma_start3A_53 = arith.constant 0 : i32
    %dma_start3A_54 = tpu.memref_slice %arg2[%dma_start3A_52, %dma_start3A_53] : memref<2x320000xi32, #tpu.memory_space<hbm>> -> memref<1x320000xi32, #tpu.memory_space<hbm>>
    %dma_start3A_55 = tpu.memref_squeeze %dma_start3A_54 : memref<1x320000xi32, #tpu.memory_space<hbm>> -> memref<320000xi32, #tpu.memory_space<hbm>>
    %dma_start3A_56 = tpu.memref_slice %dma_start3A_55[%mul3A_51] : memref<320000xi32, #tpu.memory_space<hbm>> -> memref<128xi32, #tpu.memory_space<hbm>>
    %dma_start3A_57 = arith.constant 0 : i32
    %dma_start3A_58 = tpu.memref_slice %arg2[%dma_start3A_52, %dma_start3A_57] : memref<2x320000xi32, #tpu.memory_space<hbm>> -> memref<1x320000xi32, #tpu.memory_space<hbm>>
    %dma_start3A_59 = tpu.memref_squeeze %dma_start3A_58 : memref<1x320000xi32, #tpu.memory_space<hbm>> -> memref<320000xi32, #tpu.memory_space<hbm>>
    %dma_start3A_60 = tpu.memref_slice %dma_start3A_59[%mul3A_51] : memref<320000xi32, #tpu.memory_space<hbm>> -> memref<128xi32, #tpu.memory_space<hbm>>
    tpu.enqueue_dma source(%dma_start3A_60 : memref<128xi32, #tpu.memory_space<hbm>>) target(%arg5 : memref<128xi32, #tpu.memory_space<vmem>>) target_semaphore(%arg12 : memref<!tpu.dma_semaphore, #tpu.memory_space<semaphore_mem>>)
    %dma_start3A_61 = arith.constant 0 : i32
    %dma_start3A_62 = tpu.memref_slice %arg3[%mul3A_51, %dma_start3A_61] : memref<320000x128xf32, #tpu.memory_space<hbm>> -> memref<128x128xf32, #tpu.memory_space<hbm>>
    %dma_start3A_63 = arith.constant 0 : i32
    %dma_start3A_64 = tpu.memref_slice %arg3[%mul3A_51, %dma_start3A_63] : memref<320000x128xf32, #tpu.memory_space<hbm>> -> memref<128x128xf32, #tpu.memory_space<hbm>>
    tpu.enqueue_dma source(%dma_start3A_64 : memref<128x128xf32, #tpu.memory_space<hbm>>) target(%arg8 : memref<128x128xf32, #tpu.memory_space<vmem>>) target_semaphore(%arg12 : memref<!tpu.dma_semaphore, #tpu.memory_space<semaphore_mem>>)
    %barrier3A = arith.constant 0 : index
    tpu.barrier barrier_id(%barrier3A)
    %scan3A_65 = arith.constant 1 : i32
    %scan3A_66 = arith.constant 0 : i32
    %scan3A_67 = arith.constant 25 : i32
    %scan3A_68 = arith.addi %scan3A_66, %scan3A_67 : i32
    %scan3A_69 = arith.constant 1 : i32
    scf.for %scan3A_127 = %scan3A_66 to %scan3A_68 step %scan3A_69  : i32 {
      %mul3A_128 = arith.constant 1 : i32
      %mul3A_129 = arith.muli %scan3A_127, %mul3A_128 : i32
      %add3A_130 = arith.constant 0 : i32
      %add3A_131 = arith.addi %add3A_130, %mul3A_129 : i32
      %mul3A_132 = arith.constant 3 : i32
      %mul3A_133 = arith.muli %mul3A_132, %add3A_131 : i32
      %mul3A_134 = arith.constant 32 : i32
      %mul3A_135 = arith.muli %mul3A_133, %mul3A_134 : i32
      %add3A_136 = arith.addi %add3A, %mul3A_135 : i32
      %add3A_137 = arith.constant 0 : i32
      %add3A_138 = arith.addi %add3A_136, %add3A_137 : i32
      %mul3A_139 = arith.constant 128 : i32
      %mul3A_140 = arith.muli %add3A_138, %mul3A_139 : i32
      %dma_wait3A_141 = arith.constant 0 : i32
      %dma_wait3A_142 = tpu.memref_slice %arg2[%scan3A_65, %dma_wait3A_141] : memref<2x320000xi32, #tpu.memory_space<hbm>> -> memref<1x320000xi32, #tpu.memory_space<hbm>>
      %dma_wait3A_143 = tpu.memref_squeeze %dma_wait3A_142 : memref<1x320000xi32, #tpu.memory_space<hbm>> -> memref<320000xi32, #tpu.memory_space<hbm>>
      %dma_wait3A_144 = tpu.memref_slice %dma_wait3A_143[%mul3A_140] : memref<320000xi32, #tpu.memory_space<hbm>> -> memref<128xi32, #tpu.memory_space<hbm>>
      %dma_wait3A_145 = arith.constant 0 : i32
      %dma_wait3A_146 = tpu.memref_slice %arg2[%scan3A_65, %dma_wait3A_145] : memref<2x320000xi32, #tpu.memory_space<hbm>> -> memref<1x320000xi32, #tpu.memory_space<hbm>>
      %dma_wait3A_147 = tpu.memref_squeeze %dma_wait3A_146 : memref<1x320000xi32, #tpu.memory_space<hbm>> -> memref<320000xi32, #tpu.memory_space<hbm>>
      %dma_wait3A_148 = tpu.memref_slice %dma_wait3A_147[%mul3A_140] : memref<320000xi32, #tpu.memory_space<hbm>> -> memref<128xi32, #tpu.memory_space<hbm>>
      tpu.wait_dma2 semaphore(%arg12 : memref<!tpu.dma_semaphore, #tpu.memory_space<semaphore_mem>>) src(%dma_wait3A_148 : memref<128xi32, #tpu.memory_space<hbm>>) dst(%arg5 : memref<128xi32, #tpu.memory_space<vmem>>)
      %dma_wait3A_149 = arith.constant 0 : i32
      %dma_wait3A_150 = tpu.memref_slice %arg3[%mul3A_140, %dma_wait3A_149] : memref<320000x128xf32, #tpu.memory_space<hbm>> -> memref<128x128xf32, #tpu.memory_space<hbm>>
      %dma_wait3A_151 = arith.constant 0 : i32
      %dma_wait3A_152 = tpu.memref_slice %arg3[%mul3A_140, %dma_wait3A_151] : memref<320000x128xf32, #tpu.memory_space<hbm>> -> memref<128x128xf32, #tpu.memory_space<hbm>>
      tpu.wait_dma2 semaphore(%arg12 : memref<!tpu.dma_semaphore, #tpu.memory_space<semaphore_mem>>) src(%dma_wait3A_152 : memref<128x128xf32, #tpu.memory_space<hbm>>) dst(%arg8 : memref<128x128xf32, #tpu.memory_space<vmem>>)
      "tpu.region"() ({
        %run_scoped3A = tpu.sem_alloc : memref<!tpu.dma_semaphore, #tpu.memory_space<semaphore_mem>>
        %dma_start3A_233 = arith.constant 0 : i32
        %dma_start3A_234 = arith.constant 0 : i32
        %dma_start3A_235 = tpu.memref_slice %arg11[%dma_start3A_233, %dma_start3A_234] : memref<10112x128xf32, #tpu.memory_space<vmem_shared>> -> memref<10112x128xf32, #tpu.memory_space<vmem_shared>>
        tpu.enqueue_indirect_dma source(%arg8 : memref<128x128xf32, #tpu.memory_space<vmem>>) target(%dma_start3A_235 : memref<10112x128xf32, #tpu.memory_space<vmem_shared>>) offsets(%arg5 : memref<128xi32, #tpu.memory_space<vmem>>) semaphore(%run_scoped3A : memref<!tpu.dma_semaphore, #tpu.memory_space<semaphore_mem>>) {add = true}
        %dma_wait3A_236 = arith.constant 0 : i32
        %dma_wait3A_237 = arith.constant 0 : i32
        %dma_wait3A_238 = tpu.memref_slice %arg11[%dma_wait3A_236, %dma_wait3A_237] : memref<10112x128xf32, #tpu.memory_space<vmem_shared>> -> memref<10112x128xf32, #tpu.memory_space<vmem_shared>>
        tpu.wait_indirect_dma semaphore(%run_scoped3A : memref<!tpu.dma_semaphore, #tpu.memory_space<semaphore_mem>>) src(%arg8 : memref<128x128xf32, #tpu.memory_space<vmem>>) dst(%dma_wait3A_238 : memref<10112x128xf32, #tpu.memory_space<vmem_shared>>)
        tpu.yield
      }) : () -> ()
      %add3A_153 = arith.constant 96 : i32
      %add3A_154 = arith.addi %add3A_136, %add3A_153 : i32
      %mul3A_155 = arith.constant 128 : i32
      %mul3A_156 = arith.muli %add3A_154, %mul3A_155 : i32
      %dma_start3A_157 = arith.constant 0 : i32
      %dma_start3A_158 = tpu.memref_slice %arg2[%scan3A_65, %dma_start3A_157] : memref<2x320000xi32, #tpu.memory_space<hbm>> -> memref<1x320000xi32, #tpu.memory_space<hbm>>
      %dma_start3A_159 = tpu.memref_squeeze %dma_start3A_158 : memref<1x320000xi32, #tpu.memory_space<hbm>> -> memref<320000xi32, #tpu.memory_space<hbm>>
      %dma_start3A_160 = tpu.memref_slice %dma_start3A_159[%mul3A_156] : memref<320000xi32, #tpu.memory_space<hbm>> -> memref<128xi32, #tpu.memory_space<hbm>>
      %dma_start3A_161 = arith.constant 0 : i32
      %dma_start3A_162 = tpu.memref_slice %arg2[%scan3A_65, %dma_start3A_161] : memref<2x320000xi32, #tpu.memory_space<hbm>> -> memref<1x320000xi32, #tpu.memory_space<hbm>>
      %dma_start3A_163 = tpu.memref_squeeze %dma_start3A_162 : memref<1x320000xi32, #tpu.memory_space<hbm>> -> memref<320000xi32, #tpu.memory_space<hbm>>
      %dma_start3A_164 = tpu.memref_slice %dma_start3A_163[%mul3A_156] : memref<320000xi32, #tpu.memory_space<hbm>> -> memref<128xi32, #tpu.memory_space<hbm>>
      tpu.enqueue_dma source(%dma_start3A_164 : memref<128xi32, #tpu.memory_space<hbm>>) target(%arg5 : memref<128xi32, #tpu.memory_space<vmem>>) target_semaphore(%arg12 : memref<!tpu.dma_semaphore, #tpu.memory_space<semaphore_mem>>)
      %dma_start3A_165 = arith.constant 0 : i32
      %dma_start3A_166 = tpu.memref_slice %arg3[%mul3A_156, %dma_start3A_165] : memref<320000x128xf32, #tpu.memory_space<hbm>> -> memref<128x128xf32, #tpu.memory_space<hbm>>
      %dma_start3A_167 = arith.constant 0 : i32
      %dma_start3A_168 = tpu.memref_slice %arg3[%mul3A_156, %dma_start3A_167] : memref<320000x128xf32, #tpu.memory_space<hbm>> -> memref<128x128xf32, #tpu.memory_space<hbm>>
      tpu.enqueue_dma source(%dma_start3A_168 : memref<128x128xf32, #tpu.memory_space<hbm>>) target(%arg8 : memref<128x128xf32, #tpu.memory_space<vmem>>) target_semaphore(%arg12 : memref<!tpu.dma_semaphore, #tpu.memory_space<semaphore_mem>>)
      %add3A_169 = arith.constant 32 : i32
      %add3A_170 = arith.addi %add3A_136, %add3A_169 : i32
      %mul3A_171 = arith.constant 128 : i32
      %mul3A_172 = arith.muli %add3A_170, %mul3A_171 : i32
      %dma_wait3A_173 = arith.constant 0 : i32
      %dma_wait3A_174 = tpu.memref_slice %arg2[%scan3A_65, %dma_wait3A_173] : memref<2x320000xi32, #tpu.memory_space<hbm>> -> memref<1x320000xi32, #tpu.memory_space<hbm>>
      %dma_wait3A_175 = tpu.memref_squeeze %dma_wait3A_174 : memref<1x320000xi32, #tpu.memory_space<hbm>> -> memref<320000xi32, #tpu.memory_space<hbm>>
      %dma_wait3A_176 = tpu.memref_slice %dma_wait3A_175[%mul3A_172] : memref<320000xi32, #tpu.memory_space<hbm>> -> memref<128xi32, #tpu.memory_space<hbm>>
      %dma_wait3A_177 = arith.constant 0 : i32
      %dma_wait3A_178 = tpu.memref_slice %arg2[%scan3A_65, %dma_wait3A_177] : memref<2x320000xi32, #tpu.memory_space<hbm>> -> memref<1x320000xi32, #tpu.memory_space<hbm>>
      %dma_wait3A_179 = tpu.memref_squeeze %dma_wait3A_178 : memref<1x320000xi32, #tpu.memory_space<hbm>> -> memref<320000xi32, #tpu.memory_space<hbm>>
      %dma_wait3A_180 = tpu.memref_slice %dma_wait3A_179[%mul3A_172] : memref<320000xi32, #tpu.memory_space<hbm>> -> memref<128xi32, #tpu.memory_space<hbm>>
      tpu.wait_dma2 semaphore(%arg13 : memref<!tpu.dma_semaphore, #tpu.memory_space<semaphore_mem>>) src(%dma_wait3A_180 : memref<128xi32, #tpu.memory_space<hbm>>) dst(%arg6 : memref<128xi32, #tpu.memory_space<vmem>>)
      %dma_wait3A_181 = arith.constant 0 : i32
      %dma_wait3A_182 = tpu.memref_slice %arg3[%mul3A_172, %dma_wait3A_181] : memref<320000x128xf32, #tpu.memory_space<hbm>> -> memref<128x128xf32, #tpu.memory_space<hbm>>
      %dma_wait3A_183 = arith.constant 0 : i32
      %dma_wait3A_184 = tpu.memref_slice %arg3[%mul3A_172, %dma_wait3A_183] : memref<320000x128xf32, #tpu.memory_space<hbm>> -> memref<128x128xf32, #tpu.memory_space<hbm>>
      tpu.wait_dma2 semaphore(%arg13 : memref<!tpu.dma_semaphore, #tpu.memory_space<semaphore_mem>>) src(%dma_wait3A_184 : memref<128x128xf32, #tpu.memory_space<hbm>>) dst(%arg9 : memref<128x128xf32, #tpu.memory_space<vmem>>)
      "tpu.region"() ({
        %run_scoped3A = tpu.sem_alloc : memref<!tpu.dma_semaphore, #tpu.memory_space<semaphore_mem>>
        %dma_start3A_233 = arith.constant 0 : i32
        %dma_start3A_234 = arith.constant 0 : i32
        %dma_start3A_235 = tpu.memref_slice %arg11[%dma_start3A_233, %dma_start3A_234] : memref<10112x128xf32, #tpu.memory_space<vmem_shared>> -> memref<10112x128xf32, #tpu.memory_space<vmem_shared>>
        tpu.enqueue_indirect_dma source(%arg9 : memref<128x128xf32, #tpu.memory_space<vmem>>) target(%dma_start3A_235 : memref<10112x128xf32, #tpu.memory_space<vmem_shared>>) offsets(%arg6 : memref<128xi32, #tpu.memory_space<vmem>>) semaphore(%run_scoped3A : memref<!tpu.dma_semaphore, #tpu.memory_space<semaphore_mem>>) {add = true}
        %dma_wait3A_236 = arith.constant 0 : i32
        %dma_wait3A_237 = arith.constant 0 : i32
        %dma_wait3A_238 = tpu.memref_slice %arg11[%dma_wait3A_236, %dma_wait3A_237] : memref<10112x128xf32, #tpu.memory_space<vmem_shared>> -> memref<10112x128xf32, #tpu.memory_space<vmem_shared>>
        tpu.wait_indirect_dma semaphore(%run_scoped3A : memref<!tpu.dma_semaphore, #tpu.memory_space<semaphore_mem>>) src(%arg9 : memref<128x128xf32, #tpu.memory_space<vmem>>) dst(%dma_wait3A_238 : memref<10112x128xf32, #tpu.memory_space<vmem_shared>>)
        tpu.yield
      }) : () -> ()
      %add3A_185 = arith.constant 128 : i32
      %add3A_186 = arith.addi %add3A_136, %add3A_185 : i32
      %mul3A_187 = arith.constant 128 : i32
      %mul3A_188 = arith.muli %add3A_186, %mul3A_187 : i32
      %dma_start3A_189 = arith.constant 0 : i32
      %dma_start3A_190 = tpu.memref_slice %arg2[%scan3A_65, %dma_start3A_189] : memref<2x320000xi32, #tpu.memory_space<hbm>> -> memref<1x320000xi32, #tpu.memory_space<hbm>>
      %dma_start3A_191 = tpu.memref_squeeze %dma_start3A_190 : memref<1x320000xi32, #tpu.memory_space<hbm>> -> memref<320000xi32, #tpu.memory_space<hbm>>
      %dma_start3A_192 = tpu.memref_slice %dma_start3A_191[%mul3A_188] : memref<320000xi32, #tpu.memory_space<hbm>> -> memref<128xi32, #tpu.memory_space<hbm>>
      %dma_start3A_193 = arith.constant 0 : i32
      %dma_start3A_194 = tpu.memref_slice %arg2[%scan3A_65, %dma_start3A_193] : memref<2x320000xi32, #tpu.memory_space<hbm>> -> memref<1x320000xi32, #tpu.memory_space<hbm>>
      %dma_start3A_195 = tpu.memref_squeeze %dma_start3A_194 : memref<1x320000xi32, #tpu.memory_space<hbm>> -> memref<320000xi32, #tpu.memory_space<hbm>>
      %dma_start3A_196 = tpu.memref_slice %dma_start3A_195[%mul3A_188] : memref<320000xi32, #tpu.memory_space<hbm>> -> memref<128xi32, #tpu.memory_space<hbm>>
      tpu.enqueue_dma source(%dma_start3A_196 : memref<128xi32, #tpu.memory_space<hbm>>) target(%arg6 : memref<128xi32, #tpu.memory_space<vmem>>) target_semaphore(%arg13 : memref<!tpu.dma_semaphore, #tpu.memory_space<semaphore_mem>>)
      %dma_start3A_197 = arith.constant 0 : i32
      %dma_start3A_198 = tpu.memref_slice %arg3[%mul3A_188, %dma_start3A_197] : memref<320000x128xf32, #tpu.memory_space<hbm>> -> memref<128x128xf32, #tpu.memory_space<hbm>>
      %dma_start3A_199 = arith.constant 0 : i32
      %dma_start3A_200 = tpu.memref_slice %arg3[%mul3A_188, %dma_start3A_199] : memref<320000x128xf32, #tpu.memory_space<hbm>> -> memref<128x128xf32, #tpu.memory_space<hbm>>
      tpu.enqueue_dma source(%dma_start3A_200 : memref<128x128xf32, #tpu.memory_space<hbm>>) target(%arg9 : memref<128x128xf32, #tpu.memory_space<vmem>>) target_semaphore(%arg13 : memref<!tpu.dma_semaphore, #tpu.memory_space<semaphore_mem>>)
      %add3A_201 = arith.constant 64 : i32
      %add3A_202 = arith.addi %add3A_136, %add3A_201 : i32
      %mul3A_203 = arith.constant 128 : i32
      %mul3A_204 = arith.muli %add3A_202, %mul3A_203 : i32
      %dma_wait3A_205 = arith.constant 0 : i32
      %dma_wait3A_206 = tpu.memref_slice %arg2[%scan3A_65, %dma_wait3A_205] : memref<2x320000xi32, #tpu.memory_space<hbm>> -> memref<1x320000xi32, #tpu.memory_space<hbm>>
      %dma_wait3A_207 = tpu.memref_squeeze %dma_wait3A_206 : memref<1x320000xi32, #tpu.memory_space<hbm>> -> memref<320000xi32, #tpu.memory_space<hbm>>
      %dma_wait3A_208 = tpu.memref_slice %dma_wait3A_207[%mul3A_204] : memref<320000xi32, #tpu.memory_space<hbm>> -> memref<128xi32, #tpu.memory_space<hbm>>
      %dma_wait3A_209 = arith.constant 0 : i32
      %dma_wait3A_210 = tpu.memref_slice %arg2[%scan3A_65, %dma_wait3A_209] : memref<2x320000xi32, #tpu.memory_space<hbm>> -> memref<1x320000xi32, #tpu.memory_space<hbm>>
      %dma_wait3A_211 = tpu.memref_squeeze %dma_wait3A_210 : memref<1x320000xi32, #tpu.memory_space<hbm>> -> memref<320000xi32, #tpu.memory_space<hbm>>
      %dma_wait3A_212 = tpu.memref_slice %dma_wait3A_211[%mul3A_204] : memref<320000xi32, #tpu.memory_space<hbm>> -> memref<128xi32, #tpu.memory_space<hbm>>
      tpu.wait_dma2 semaphore(%arg14 : memref<!tpu.dma_semaphore, #tpu.memory_space<semaphore_mem>>) src(%dma_wait3A_212 : memref<128xi32, #tpu.memory_space<hbm>>) dst(%arg7 : memref<128xi32, #tpu.memory_space<vmem>>)
      %dma_wait3A_213 = arith.constant 0 : i32
      %dma_wait3A_214 = tpu.memref_slice %arg3[%mul3A_204, %dma_wait3A_213] : memref<320000x128xf32, #tpu.memory_space<hbm>> -> memref<128x128xf32, #tpu.memory_space<hbm>>
      %dma_wait3A_215 = arith.constant 0 : i32
      %dma_wait3A_216 = tpu.memref_slice %arg3[%mul3A_204, %dma_wait3A_215] : memref<320000x128xf32, #tpu.memory_space<hbm>> -> memref<128x128xf32, #tpu.memory_space<hbm>>
      tpu.wait_dma2 semaphore(%arg14 : memref<!tpu.dma_semaphore, #tpu.memory_space<semaphore_mem>>) src(%dma_wait3A_216 : memref<128x128xf32, #tpu.memory_space<hbm>>) dst(%arg10 : memref<128x128xf32, #tpu.memory_space<vmem>>)
      "tpu.region"() ({
        %run_scoped3A = tpu.sem_alloc : memref<!tpu.dma_semaphore, #tpu.memory_space<semaphore_mem>>
        %dma_start3A_233 = arith.constant 0 : i32
        %dma_start3A_234 = arith.constant 0 : i32
        %dma_start3A_235 = tpu.memref_slice %arg11[%dma_start3A_233, %dma_start3A_234] : memref<10112x128xf32, #tpu.memory_space<vmem_shared>> -> memref<10112x128xf32, #tpu.memory_space<vmem_shared>>
        tpu.enqueue_indirect_dma source(%arg10 : memref<128x128xf32, #tpu.memory_space<vmem>>) target(%dma_start3A_235 : memref<10112x128xf32, #tpu.memory_space<vmem_shared>>) offsets(%arg7 : memref<128xi32, #tpu.memory_space<vmem>>) semaphore(%run_scoped3A : memref<!tpu.dma_semaphore, #tpu.memory_space<semaphore_mem>>) {add = true}
        %dma_wait3A_236 = arith.constant 0 : i32
        %dma_wait3A_237 = arith.constant 0 : i32
        %dma_wait3A_238 = tpu.memref_slice %arg11[%dma_wait3A_236, %dma_wait3A_237] : memref<10112x128xf32, #tpu.memory_space<vmem_shared>> -> memref<10112x128xf32, #tpu.memory_space<vmem_shared>>
        tpu.wait_indirect_dma semaphore(%run_scoped3A : memref<!tpu.dma_semaphore, #tpu.memory_space<semaphore_mem>>) src(%arg10 : memref<128x128xf32, #tpu.memory_space<vmem>>) dst(%dma_wait3A_238 : memref<10112x128xf32, #tpu.memory_space<vmem_shared>>)
        tpu.yield
      }) : () -> ()
      %add3A_217 = arith.constant 160 : i32
      %add3A_218 = arith.addi %add3A_136, %add3A_217 : i32
      %mul3A_219 = arith.constant 128 : i32
      %mul3A_220 = arith.muli %add3A_218, %mul3A_219 : i32
      %dma_start3A_221 = arith.constant 0 : i32
      %dma_start3A_222 = tpu.memref_slice %arg2[%scan3A_65, %dma_start3A_221] : memref<2x320000xi32, #tpu.memory_space<hbm>> -> memref<1x320000xi32, #tpu.memory_space<hbm>>
      %dma_start3A_223 = tpu.memref_squeeze %dma_start3A_222 : memref<1x320000xi32, #tpu.memory_space<hbm>> -> memref<320000xi32, #tpu.memory_space<hbm>>
      %dma_start3A_224 = tpu.memref_slice %dma_start3A_223[%mul3A_220] : memref<320000xi32, #tpu.memory_space<hbm>> -> memref<128xi32, #tpu.memory_space<hbm>>
      %dma_start3A_225 = arith.constant 0 : i32
      %dma_start3A_226 = tpu.memref_slice %arg2[%scan3A_65, %dma_start3A_225] : memref<2x320000xi32, #tpu.memory_space<hbm>> -> memref<1x320000xi32, #tpu.memory_space<hbm>>
      %dma_start3A_227 = tpu.memref_squeeze %dma_start3A_226 : memref<1x320000xi32, #tpu.memory_space<hbm>> -> memref<320000xi32, #tpu.memory_space<hbm>>
      %dma_start3A_228 = tpu.memref_slice %dma_start3A_227[%mul3A_220] : memref<320000xi32, #tpu.memory_space<hbm>> -> memref<128xi32, #tpu.memory_space<hbm>>
      tpu.enqueue_dma source(%dma_start3A_228 : memref<128xi32, #tpu.memory_space<hbm>>) target(%arg7 : memref<128xi32, #tpu.memory_space<vmem>>) target_semaphore(%arg14 : memref<!tpu.dma_semaphore, #tpu.memory_space<semaphore_mem>>)
      %dma_start3A_229 = arith.constant 0 : i32
      %dma_start3A_230 = tpu.memref_slice %arg3[%mul3A_220, %dma_start3A_229] : memref<320000x128xf32, #tpu.memory_space<hbm>> -> memref<128x128xf32, #tpu.memory_space<hbm>>
      %dma_start3A_231 = arith.constant 0 : i32
      %dma_start3A_232 = tpu.memref_slice %arg3[%mul3A_220, %dma_start3A_231] : memref<320000x128xf32, #tpu.memory_space<hbm>> -> memref<128x128xf32, #tpu.memory_space<hbm>>
      tpu.enqueue_dma source(%dma_start3A_232 : memref<128x128xf32, #tpu.memory_space<hbm>>) target(%arg10 : memref<128x128xf32, #tpu.memory_space<vmem>>) target_semaphore(%arg14 : memref<!tpu.dma_semaphore, #tpu.memory_space<semaphore_mem>>)
    }
    %scan3A_70 = arith.constant 25 : i32
    %add3A_71 = arith.constant 2400 : i32
    %add3A_72 = arith.addi %add3A, %add3A_71 : i32
    %add3A_73 = arith.constant 0 : i32
    %add3A_74 = arith.addi %add3A_72, %add3A_73 : i32
    %mul3A_75 = arith.constant 128 : i32
    %mul3A_76 = arith.muli %add3A_74, %mul3A_75 : i32
    %dma_wait3A = arith.constant 1 : i32
    %dma_wait3A_77 = arith.constant 0 : i32
    %dma_wait3A_78 = tpu.memref_slice %arg2[%dma_wait3A, %dma_wait3A_77] : memref<2x320000xi32, #tpu.memory_space<hbm>> -> memref<1x320000xi32, #tpu.memory_space<hbm>>
    %dma_wait3A_79 = tpu.memref_squeeze %dma_wait3A_78 : memref<1x320000xi32, #tpu.memory_space<hbm>> -> memref<320000xi32, #tpu.memory_space<hbm>>
    %dma_wait3A_80 = tpu.memref_slice %dma_wait3A_79[%mul3A_76] : memref<320000xi32, #tpu.memory_space<hbm>> -> memref<128xi32, #tpu.memory_space<hbm>>
    %dma_wait3A_81 = arith.constant 0 : i32
    %dma_wait3A_82 = tpu.memref_slice %arg2[%dma_wait3A, %dma_wait3A_81] : memref<2x320000xi32, #tpu.memory_space<hbm>> -> memref<1x320000xi32, #tpu.memory_space<hbm>>
    %dma_wait3A_83 = tpu.memref_squeeze %dma_wait3A_82 : memref<1x320000xi32, #tpu.memory_space<hbm>> -> memref<320000xi32, #tpu.memory_space<hbm>>
    %dma_wait3A_84 = tpu.memref_slice %dma_wait3A_83[%mul3A_76] : memref<320000xi32, #tpu.memory_space<hbm>> -> memref<128xi32, #tpu.memory_space<hbm>>
    tpu.wait_dma2 semaphore(%arg12 : memref<!tpu.dma_semaphore, #tpu.memory_space<semaphore_mem>>) src(%dma_wait3A_84 : memref<128xi32, #tpu.memory_space<hbm>>) dst(%arg5 : memref<128xi32, #tpu.memory_space<vmem>>)
    %dma_wait3A_85 = arith.constant 0 : i32
    %dma_wait3A_86 = tpu.memref_slice %arg3[%mul3A_76, %dma_wait3A_85] : memref<320000x128xf32, #tpu.memory_space<hbm>> -> memref<128x128xf32, #tpu.memory_space<hbm>>
    %dma_wait3A_87 = arith.constant 0 : i32
    %dma_wait3A_88 = tpu.memref_slice %arg3[%mul3A_76, %dma_wait3A_87] : memref<320000x128xf32, #tpu.memory_space<hbm>> -> memref<128x128xf32, #tpu.memory_space<hbm>>
    tpu.wait_dma2 semaphore(%arg12 : memref<!tpu.dma_semaphore, #tpu.memory_space<semaphore_mem>>) src(%dma_wait3A_88 : memref<128x128xf32, #tpu.memory_space<hbm>>) dst(%arg8 : memref<128x128xf32, #tpu.memory_space<vmem>>)
    "tpu.region"() ({
      %run_scoped3A = tpu.sem_alloc : memref<!tpu.dma_semaphore, #tpu.memory_space<semaphore_mem>>
      %dma_start3A_127 = arith.constant 0 : i32
      %dma_start3A_128 = arith.constant 0 : i32
      %dma_start3A_129 = tpu.memref_slice %arg11[%dma_start3A_127, %dma_start3A_128] : memref<10112x128xf32, #tpu.memory_space<vmem_shared>> -> memref<10112x128xf32, #tpu.memory_space<vmem_shared>>
      tpu.enqueue_indirect_dma source(%arg8 : memref<128x128xf32, #tpu.memory_space<vmem>>) target(%dma_start3A_129 : memref<10112x128xf32, #tpu.memory_space<vmem_shared>>) offsets(%arg5 : memref<128xi32, #tpu.memory_space<vmem>>) semaphore(%run_scoped3A : memref<!tpu.dma_semaphore, #tpu.memory_space<semaphore_mem>>) {add = true}
      %dma_wait3A_130 = arith.constant 0 : i32
      %dma_wait3A_131 = arith.constant 0 : i32
      %dma_wait3A_132 = tpu.memref_slice %arg11[%dma_wait3A_130, %dma_wait3A_131] : memref<10112x128xf32, #tpu.memory_space<vmem_shared>> -> memref<10112x128xf32, #tpu.memory_space<vmem_shared>>
      tpu.wait_indirect_dma semaphore(%run_scoped3A : memref<!tpu.dma_semaphore, #tpu.memory_space<semaphore_mem>>) src(%arg8 : memref<128x128xf32, #tpu.memory_space<vmem>>) dst(%dma_wait3A_132 : memref<10112x128xf32, #tpu.memory_space<vmem_shared>>)
      tpu.yield
    }) : () -> ()
    %add3A_89 = arith.constant 32 : i32
    %add3A_90 = arith.addi %add3A_72, %add3A_89 : i32
    %mul3A_91 = arith.constant 128 : i32
    %mul3A_92 = arith.muli %add3A_90, %mul3A_91 : i32
    %dma_wait3A_93 = arith.constant 1 : i32
    %dma_wait3A_94 = arith.constant 0 : i32
    %dma_wait3A_95 = tpu.memref_slice %arg2[%dma_wait3A_93, %dma_wait3A_94] : memref<2x320000xi32, #tpu.memory_space<hbm>> -> memref<1x320000xi32, #tpu.memory_space<hbm>>
    %dma_wait3A_96 = tpu.memref_squeeze %dma_wait3A_95 : memref<1x320000xi32, #tpu.memory_space<hbm>> -> memref<320000xi32, #tpu.memory_space<hbm>>
    %dma_wait3A_97 = tpu.memref_slice %dma_wait3A_96[%mul3A_92] : memref<320000xi32, #tpu.memory_space<hbm>> -> memref<128xi32, #tpu.memory_space<hbm>>
    %dma_wait3A_98 = arith.constant 0 : i32
    %dma_wait3A_99 = tpu.memref_slice %arg2[%dma_wait3A_93, %dma_wait3A_98] : memref<2x320000xi32, #tpu.memory_space<hbm>> -> memref<1x320000xi32, #tpu.memory_space<hbm>>
    %dma_wait3A_100 = tpu.memref_squeeze %dma_wait3A_99 : memref<1x320000xi32, #tpu.memory_space<hbm>> -> memref<320000xi32, #tpu.memory_space<hbm>>
    %dma_wait3A_101 = tpu.memref_slice %dma_wait3A_100[%mul3A_92] : memref<320000xi32, #tpu.memory_space<hbm>> -> memref<128xi32, #tpu.memory_space<hbm>>
    tpu.wait_dma2 semaphore(%arg13 : memref<!tpu.dma_semaphore, #tpu.memory_space<semaphore_mem>>) src(%dma_wait3A_101 : memref<128xi32, #tpu.memory_space<hbm>>) dst(%arg6 : memref<128xi32, #tpu.memory_space<vmem>>)
    %dma_wait3A_102 = arith.constant 0 : i32
    %dma_wait3A_103 = tpu.memref_slice %arg3[%mul3A_92, %dma_wait3A_102] : memref<320000x128xf32, #tpu.memory_space<hbm>> -> memref<128x128xf32, #tpu.memory_space<hbm>>
    %dma_wait3A_104 = arith.constant 0 : i32
    %dma_wait3A_105 = tpu.memref_slice %arg3[%mul3A_92, %dma_wait3A_104] : memref<320000x128xf32, #tpu.memory_space<hbm>> -> memref<128x128xf32, #tpu.memory_space<hbm>>
    tpu.wait_dma2 semaphore(%arg13 : memref<!tpu.dma_semaphore, #tpu.memory_space<semaphore_mem>>) src(%dma_wait3A_105 : memref<128x128xf32, #tpu.memory_space<hbm>>) dst(%arg9 : memref<128x128xf32, #tpu.memory_space<vmem>>)
    "tpu.region"() ({
      %run_scoped3A = tpu.sem_alloc : memref<!tpu.dma_semaphore, #tpu.memory_space<semaphore_mem>>
      %dma_start3A_127 = arith.constant 0 : i32
      %dma_start3A_128 = arith.constant 0 : i32
      %dma_start3A_129 = tpu.memref_slice %arg11[%dma_start3A_127, %dma_start3A_128] : memref<10112x128xf32, #tpu.memory_space<vmem_shared>> -> memref<10112x128xf32, #tpu.memory_space<vmem_shared>>
      tpu.enqueue_indirect_dma source(%arg9 : memref<128x128xf32, #tpu.memory_space<vmem>>) target(%dma_start3A_129 : memref<10112x128xf32, #tpu.memory_space<vmem_shared>>) offsets(%arg6 : memref<128xi32, #tpu.memory_space<vmem>>) semaphore(%run_scoped3A : memref<!tpu.dma_semaphore, #tpu.memory_space<semaphore_mem>>) {add = true}
      %dma_wait3A_130 = arith.constant 0 : i32
      %dma_wait3A_131 = arith.constant 0 : i32
      %dma_wait3A_132 = tpu.memref_slice %arg11[%dma_wait3A_130, %dma_wait3A_131] : memref<10112x128xf32, #tpu.memory_space<vmem_shared>> -> memref<10112x128xf32, #tpu.memory_space<vmem_shared>>
      tpu.wait_indirect_dma semaphore(%run_scoped3A : memref<!tpu.dma_semaphore, #tpu.memory_space<semaphore_mem>>) src(%arg9 : memref<128x128xf32, #tpu.memory_space<vmem>>) dst(%dma_wait3A_132 : memref<10112x128xf32, #tpu.memory_space<vmem_shared>>)
      tpu.yield
    }) : () -> ()
    %add3A_106 = arith.constant 64 : i32
    %add3A_107 = arith.addi %add3A_72, %add3A_106 : i32
    %mul3A_108 = arith.constant 128 : i32
    %mul3A_109 = arith.muli %add3A_107, %mul3A_108 : i32
    %dma_wait3A_110 = arith.constant 1 : i32
    %dma_wait3A_111 = arith.constant 0 : i32
    %dma_wait3A_112 = tpu.memref_slice %arg2[%dma_wait3A_110, %dma_wait3A_111] : memref<2x320000xi32, #tpu.memory_space<hbm>> -> memref<1x320000xi32, #tpu.memory_space<hbm>>
    %dma_wait3A_113 = tpu.memref_squeeze %dma_wait3A_112 : memref<1x320000xi32, #tpu.memory_space<hbm>> -> memref<320000xi32, #tpu.memory_space<hbm>>
    %dma_wait3A_114 = tpu.memref_slice %dma_wait3A_113[%mul3A_109] : memref<320000xi32, #tpu.memory_space<hbm>> -> memref<128xi32, #tpu.memory_space<hbm>>
    %dma_wait3A_115 = arith.constant 0 : i32
    %dma_wait3A_116 = tpu.memref_slice %arg2[%dma_wait3A_110, %dma_wait3A_115] : memref<2x320000xi32, #tpu.memory_space<hbm>> -> memref<1x320000xi32, #tpu.memory_space<hbm>>
    %dma_wait3A_117 = tpu.memref_squeeze %dma_wait3A_116 : memref<1x320000xi32, #tpu.memory_space<hbm>> -> memref<320000xi32, #tpu.memory_space<hbm>>
    %dma_wait3A_118 = tpu.memref_slice %dma_wait3A_117[%mul3A_109] : memref<320000xi32, #tpu.memory_space<hbm>> -> memref<128xi32, #tpu.memory_space<hbm>>
    tpu.wait_dma2 semaphore(%arg14 : memref<!tpu.dma_semaphore, #tpu.memory_space<semaphore_mem>>) src(%dma_wait3A_118 : memref<128xi32, #tpu.memory_space<hbm>>) dst(%arg7 : memref<128xi32, #tpu.memory_space<vmem>>)
    %dma_wait3A_119 = arith.constant 0 : i32
    %dma_wait3A_120 = tpu.memref_slice %arg3[%mul3A_109, %dma_wait3A_119] : memref<320000x128xf32, #tpu.memory_space<hbm>> -> memref<128x128xf32, #tpu.memory_space<hbm>>
    %dma_wait3A_121 = arith.constant 0 : i32
    %dma_wait3A_122 = tpu.memref_slice %arg3[%mul3A_109, %dma_wait3A_121] : memref<320000x128xf32, #tpu.memory_space<hbm>> -> memref<128x128xf32, #tpu.memory_space<hbm>>
    tpu.wait_dma2 semaphore(%arg14 : memref<!tpu.dma_semaphore, #tpu.memory_space<semaphore_mem>>) src(%dma_wait3A_122 : memref<128x128xf32, #tpu.memory_space<hbm>>) dst(%arg10 : memref<128x128xf32, #tpu.memory_space<vmem>>)
    "tpu.region"() ({
      %run_scoped3A = tpu.sem_alloc : memref<!tpu.dma_semaphore, #tpu.memory_space<semaphore_mem>>
      %dma_start3A_127 = arith.constant 0 : i32
      %dma_start3A_128 = arith.constant 0 : i32
      %dma_start3A_129 = tpu.memref_slice %arg11[%dma_start3A_127, %dma_start3A_128] : memref<10112x128xf32, #tpu.memory_space<vmem_shared>> -> memref<10112x128xf32, #tpu.memory_space<vmem_shared>>
      tpu.enqueue_indirect_dma source(%arg10 : memref<128x128xf32, #tpu.memory_space<vmem>>) target(%dma_start3A_129 : memref<10112x128xf32, #tpu.memory_space<vmem_shared>>) offsets(%arg7 : memref<128xi32, #tpu.memory_space<vmem>>) semaphore(%run_scoped3A : memref<!tpu.dma_semaphore, #tpu.memory_space<semaphore_mem>>) {add = true}
      %dma_wait3A_130 = arith.constant 0 : i32
      %dma_wait3A_131 = arith.constant 0 : i32
      %dma_wait3A_132 = tpu.memref_slice %arg11[%dma_wait3A_130, %dma_wait3A_131] : memref<10112x128xf32, #tpu.memory_space<vmem_shared>> -> memref<10112x128xf32, #tpu.memory_space<vmem_shared>>
      tpu.wait_indirect_dma semaphore(%run_scoped3A : memref<!tpu.dma_semaphore, #tpu.memory_space<semaphore_mem>>) src(%arg10 : memref<128x128xf32, #tpu.memory_space<vmem>>) dst(%dma_wait3A_132 : memref<10112x128xf32, #tpu.memory_space<vmem_shared>>)
      tpu.yield
    }) : () -> ()
    %lt3A = arith.constant 4 : i32
    %lt3A_123 = arith.cmpi slt, %add3A, %lt3A : i32
    %convert_element_type3A = arith.extui %lt3A_123 : i1 to i32
    %cond3A = arith.constant 1 : i32
    %cond3A_124 = arith.constant 0 : i32
    %cond3A_125 = arith.cmpi ne, %convert_element_type3A, %cond3A_124 : i32
    scf.if %cond3A_125 {
      %add3A_127 = arith.constant 2496 : i32
      %add3A_128 = arith.addi %add3A_127, %add3A : i32
      %mul3A_129 = arith.constant 128 : i32
      %mul3A_130 = arith.muli %add3A_128, %mul3A_129 : i32
      "tpu.region"() ({
        %run_scoped3A = tpu.sem_alloc : memref<!tpu.dma_semaphore, #tpu.memory_space<semaphore_mem>>
        %dma_start3A_131 = arith.constant 0 : i32
        %dma_start3A_132 = tpu.memref_slice %arg2[%cond3A, %dma_start3A_131] : memref<2x320000xi32, #tpu.memory_space<hbm>> -> memref<1x320000xi32, #tpu.memory_space<hbm>>
        %dma_start3A_133 = tpu.memref_squeeze %dma_start3A_132 : memref<1x320000xi32, #tpu.memory_space<hbm>> -> memref<320000xi32, #tpu.memory_space<hbm>>
        %dma_start3A_134 = tpu.memref_slice %dma_start3A_133[%mul3A_130] : memref<320000xi32, #tpu.memory_space<hbm>> -> memref<128xi32, #tpu.memory_space<hbm>>
        %dma_start3A_135 = arith.constant 0 : i32
        %dma_start3A_136 = tpu.memref_slice %arg2[%cond3A, %dma_start3A_135] : memref<2x320000xi32, #tpu.memory_space<hbm>> -> memref<1x320000xi32, #tpu.memory_space<hbm>>
        %dma_start3A_137 = tpu.memref_squeeze %dma_start3A_136 : memref<1x320000xi32, #tpu.memory_space<hbm>> -> memref<320000xi32, #tpu.memory_space<hbm>>
        %dma_start3A_138 = tpu.memref_slice %dma_start3A_137[%mul3A_130] : memref<320000xi32, #tpu.memory_space<hbm>> -> memref<128xi32, #tpu.memory_space<hbm>>
        tpu.enqueue_dma source(%dma_start3A_138 : memref<128xi32, #tpu.memory_space<hbm>>) target(%arg5 : memref<128xi32, #tpu.memory_space<vmem>>) target_semaphore(%run_scoped3A : memref<!tpu.dma_semaphore, #tpu.memory_space<semaphore_mem>>)
        %dma_wait3A_139 = arith.constant 0 : i32
        %dma_wait3A_140 = tpu.memref_slice %arg2[%cond3A, %dma_wait3A_139] : memref<2x320000xi32, #tpu.memory_space<hbm>> -> memref<1x320000xi32, #tpu.memory_space<hbm>>
        %dma_wait3A_141 = tpu.memref_squeeze %dma_wait3A_140 : memref<1x320000xi32, #tpu.memory_space<hbm>> -> memref<320000xi32, #tpu.memory_space<hbm>>
        %dma_wait3A_142 = tpu.memref_slice %dma_wait3A_141[%mul3A_130] : memref<320000xi32, #tpu.memory_space<hbm>> -> memref<128xi32, #tpu.memory_space<hbm>>
        %dma_wait3A_143 = arith.constant 0 : i32
        %dma_wait3A_144 = tpu.memref_slice %arg2[%cond3A, %dma_wait3A_143] : memref<2x320000xi32, #tpu.memory_space<hbm>> -> memref<1x320000xi32, #tpu.memory_space<hbm>>
        %dma_wait3A_145 = tpu.memref_squeeze %dma_wait3A_144 : memref<1x320000xi32, #tpu.memory_space<hbm>> -> memref<320000xi32, #tpu.memory_space<hbm>>
        %dma_wait3A_146 = tpu.memref_slice %dma_wait3A_145[%mul3A_130] : memref<320000xi32, #tpu.memory_space<hbm>> -> memref<128xi32, #tpu.memory_space<hbm>>
        tpu.wait_dma2 semaphore(%run_scoped3A : memref<!tpu.dma_semaphore, #tpu.memory_space<semaphore_mem>>) src(%dma_wait3A_146 : memref<128xi32, #tpu.memory_space<hbm>>) dst(%arg5 : memref<128xi32, #tpu.memory_space<vmem>>)
        tpu.yield
      }) : () -> ()
      "tpu.region"() ({
        %run_scoped3A = tpu.sem_alloc : memref<!tpu.dma_semaphore, #tpu.memory_space<semaphore_mem>>
        %dma_start3A_131 = arith.constant 0 : i32
        %dma_start3A_132 = tpu.memref_slice %arg3[%mul3A_130, %dma_start3A_131] : memref<320000x128xf32, #tpu.memory_space<hbm>> -> memref<128x128xf32, #tpu.memory_space<hbm>>
        %dma_start3A_133 = arith.constant 0 : i32
        %dma_start3A_134 = tpu.memref_slice %arg3[%mul3A_130, %dma_start3A_133] : memref<320000x128xf32, #tpu.memory_space<hbm>> -> memref<128x128xf32, #tpu.memory_space<hbm>>
        tpu.enqueue_dma source(%dma_start3A_134 : memref<128x128xf32, #tpu.memory_space<hbm>>) target(%arg8 : memref<128x128xf32, #tpu.memory_space<vmem>>) target_semaphore(%run_scoped3A : memref<!tpu.dma_semaphore, #tpu.memory_space<semaphore_mem>>)
        %dma_wait3A_135 = arith.constant 0 : i32
        %dma_wait3A_136 = tpu.memref_slice %arg3[%mul3A_130, %dma_wait3A_135] : memref<320000x128xf32, #tpu.memory_space<hbm>> -> memref<128x128xf32, #tpu.memory_space<hbm>>
        %dma_wait3A_137 = arith.constant 0 : i32
        %dma_wait3A_138 = tpu.memref_slice %arg3[%mul3A_130, %dma_wait3A_137] : memref<320000x128xf32, #tpu.memory_space<hbm>> -> memref<128x128xf32, #tpu.memory_space<hbm>>
        tpu.wait_dma2 semaphore(%run_scoped3A : memref<!tpu.dma_semaphore, #tpu.memory_space<semaphore_mem>>) src(%dma_wait3A_138 : memref<128x128xf32, #tpu.memory_space<hbm>>) dst(%arg8 : memref<128x128xf32, #tpu.memory_space<vmem>>)
        tpu.yield
      }) : () -> ()
      "tpu.region"() ({
        %run_scoped3A = tpu.sem_alloc : memref<!tpu.dma_semaphore, #tpu.memory_space<semaphore_mem>>
        %dma_start3A_131 = arith.constant 0 : i32
        %dma_start3A_132 = arith.constant 0 : i32
        %dma_start3A_133 = tpu.memref_slice %arg11[%dma_start3A_131, %dma_start3A_132] : memref<10112x128xf32, #tpu.memory_space<vmem_shared>> -> memref<10112x128xf32, #tpu.memory_space<vmem_shared>>
        tpu.enqueue_indirect_dma source(%arg8 : memref<128x128xf32, #tpu.memory_space<vmem>>) target(%dma_start3A_133 : memref<10112x128xf32, #tpu.memory_space<vmem_shared>>) offsets(%arg5 : memref<128xi32, #tpu.memory_space<vmem>>) semaphore(%run_scoped3A : memref<!tpu.dma_semaphore, #tpu.memory_space<semaphore_mem>>) {add = true}
        %dma_wait3A_134 = arith.constant 0 : i32
        %dma_wait3A_135 = arith.constant 0 : i32
        %dma_wait3A_136 = tpu.memref_slice %arg11[%dma_wait3A_134, %dma_wait3A_135] : memref<10112x128xf32, #tpu.memory_space<vmem_shared>> -> memref<10112x128xf32, #tpu.memory_space<vmem_shared>>
        tpu.wait_indirect_dma semaphore(%run_scoped3A : memref<!tpu.dma_semaphore, #tpu.memory_space<semaphore_mem>>) src(%arg8 : memref<128x128xf32, #tpu.memory_space<vmem>>) dst(%dma_wait3A_136 : memref<10112x128xf32, #tpu.memory_space<vmem_shared>>)
        tpu.yield
      }) : () -> ()
    } else {
    }
    %barrier3A_126 = arith.constant 0 : index
    tpu.barrier barrier_id(%barrier3A_126)
    "tpu.region"() ({
      %run_scoped3A = tpu.sem_alloc : memref<!tpu.dma_semaphore, #tpu.memory_space<semaphore_mem>>
      %dma_start3A_127 = arith.constant 0 : i32
      %dma_start3A_128 = arith.constant 0 : i32
      %dma_start3A_129 = tpu.memref_slice %arg4[%arg0, %dma_start3A_127, %dma_start3A_128] : memref<2x10112x128xf32, #tpu.memory_space<hbm>> -> memref<1x10112x128xf32, #tpu.memory_space<hbm>>
      %dma_start3A_130 = tpu.memref_squeeze %dma_start3A_129 : memref<1x10112x128xf32, #tpu.memory_space<hbm>> -> memref<10112x128xf32, #tpu.memory_space<hbm>>
      %dma_start3A_131 = arith.constant 0 : i32
      %dma_start3A_132 = tpu.memref_slice %dma_start3A_130[%mul3A_39, %dma_start3A_131] : memref<10112x128xf32, #tpu.memory_space<hbm>> -> memref<632x128xf32, #tpu.memory_space<hbm>>
      %dma_start3A_133 = arith.constant 0 : i32
      %dma_start3A_134 = tpu.memref_slice %arg11[%mul3A_39, %dma_start3A_133] : memref<10112x128xf32, #tpu.memory_space<vmem_shared>> -> memref<632x128xf32, #tpu.memory_space<vmem_shared>>
      tpu.enqueue_dma source(%dma_start3A_134 : memref<632x128xf32, #tpu.memory_space<vmem_shared>>) target(%dma_start3A_132 : memref<632x128xf32, #tpu.memory_space<hbm>>) target_semaphore(%run_scoped3A : memref<!tpu.dma_semaphore, #tpu.memory_space<semaphore_mem>>)
      %dma_wait3A_135 = arith.constant 0 : i32
      %dma_wait3A_136 = arith.constant 0 : i32
      %dma_wait3A_137 = tpu.memref_slice %arg4[%arg0, %dma_wait3A_135, %dma_wait3A_136] : memref<2x10112x128xf32, #tpu.memory_space<hbm>> -> memref<1x10112x128xf32, #tpu.memory_space<hbm>>
      %dma_wait3A_138 = tpu.memref_squeeze %dma_wait3A_137 : memref<1x10112x128xf32, #tpu.memory_space<hbm>> -> memref<10112x128xf32, #tpu.memory_space<hbm>>
      %dma_wait3A_139 = arith.constant 0 : i32
      %dma_wait3A_140 = tpu.memref_slice %dma_wait3A_138[%mul3A_39, %dma_wait3A_139] : memref<10112x128xf32, #tpu.memory_space<hbm>> -> memref<632x128xf32, #tpu.memory_space<hbm>>
      %dma_wait3A_141 = arith.constant 0 : i32
      %dma_wait3A_142 = tpu.memref_slice %arg11[%mul3A_39, %dma_wait3A_141] : memref<10112x128xf32, #tpu.memory_space<vmem_shared>> -> memref<632x128xf32, #tpu.memory_space<vmem_shared>>
      tpu.wait_dma2 semaphore(%run_scoped3A : memref<!tpu.dma_semaphore, #tpu.memory_space<semaphore_mem>>) src(%dma_wait3A_142 : memref<632x128xf32, #tpu.memory_space<vmem_shared>>) dst(%dma_wait3A_140 : memref<632x128xf32, #tpu.memory_space<hbm>>)
      tpu.yield
    }) : () -> ()
    return
  }
}

module attributes {stable_mosaic.version = 14 : i64} {
  func.func @_tc_add_body(%arg0: memref<10112x128xf32, #tpu.memory_space<vmem>>, %arg1: memref<10112x128xf32, #tpu.memory_space<vmem>>, %arg2: memref<10000x128xf32, #tpu.memory_space<vmem>>) attributes {dimension_semantics = [], scalar_prefetch = 0 : i64, scratch_operands = 0 : i64, tpu.core_type = #tpu.core_type<tc>} {
    %get3A = arith.constant 0 : index
    %get3A_0 = arith.constant 0 : index
    %get3A_1 = vector.load %arg0[%get3A, %get3A_0] : memref<10112x128xf32, #tpu.memory_space<vmem>>, vector<10000x128xf32>
    %get3A_2 = arith.constant 0 : index
    %get3A_3 = arith.constant 0 : index
    %get3A_4 = vector.load %arg1[%get3A_2, %get3A_3] : memref<10112x128xf32, #tpu.memory_space<vmem>>, vector<10000x128xf32>
    %add3A = arith.addf %get3A_1, %get3A_4 : vector<10000x128xf32>
    %swap3A = arith.constant 0 : index
    %swap3A_5 = arith.constant 0 : index
    %swap3A_6 = vector.load %arg2[%swap3A, %swap3A_5] : memref<10000x128xf32, #tpu.memory_space<vmem>>, vector<10000x128xf32>
    tpu.vector_store %arg2[%swap3A, %swap3A_5], %add3A {strides = array<i32>} : memref<10000x128xf32, #tpu.memory_space<vmem>>, vector<10000x128xf32>,
    return
  }
}

</mosaic_0001>

<sc_bundles>
// kernel: kernel.4.cloned.1.call-start
scs
__scs_entry_jumppad:
0x0: {  	(pc) =	sbr.rel $0x88, $3  }
0x1: {  	(tag) =	ssettag $0x0;
	lr =	simm.s32 $0x1  }
0x2: {  	[smem:$0x3F9F] =	sst lr;
	_ =	strace $0xD0000000  }
0x3: {  	_ = 	snop  }
0x4: {  	_ = 	snop  }
0x5: {  	_ = 	snop  }
0x6: {  	_ = 	snop  }
0x7: {  	_ = 	snop  }
__scs_overlays_trampoline_lowered:
0x8: {  	[smem:$0x3FAE] =	sst s0  }
0x9: {  	[smem:$0x3FAF] =	sst s1  }
0xa: {  	[smem:$0x3FB0] =	sst s2  }
0xb: {  	[smem:$0x3FB1] =	sst s3  }
0xc: {  	[smem:$0x3FB2] =	sst s4  }
0xd: {  	[smem:$0x3FB3] =	sst s5  }
0xe: {  	[smem:$0x3FB4] =	sst s6  }
0xf: {  	[smem:$0x3FB5] =	sst s7  }
0x10: {  	[smem:$0x3FB6] =	sst s8  }
0x11: {  	[smem:$0x3FB7] =	sst s9;
	s0 =	simm.s32 @!p0 $0x0  }
0x12: {  	s1 =	sld [smem:$0x3F9D];
	s0 =	simm.s32 @p0 $0x1  }
0x13: {  	[smem:$0x3FB8] =	sst s0;
	s0 =	simm.s32 @!p1 $0x0  }
0x14: {  	s2 =	sld [smem:$0x3F9C];
	s0 =	simm.s32 @p1 $0x1  }
0x15: {  	[smem:$0x3FB9] =	sst s0;
	s0 =	simm.s32 @!p2 $0x0  }
0x16: {  	s3 =	sld [smem:$0x3FDB];
	s0 =	simm.s32 @p2 $0x1  }
0x17: {  	s4 =	simm.s32 $0x1BF5;
	[smem:$0x3FBB] =	sst s0  }
0x18: {  	s0 =	sld [smem:$0x3F9E];
	_ =	swait.ge [sflag:s4], $0x0  }
0x19: {  	s7 =	sld [smem:$0x3F9F]  }
0x1a: {  	s8 =	sadd.s32 $0xFFFFE003, lr  }
0x1b: {  	s9 =	sadd.s32 $0xFFFFFEF7, lr;
	s5 =	simm.s32 $0xFFFFFFFF;
	p2 =	slt.u32 s8, $0xFFFFF086  }
0x1c: {  	p1 =	slt.u32 s9, $0xF7A;
	s5 =	simm.s32 @!p2 $0x0  }
0x1d: {  	s5 =	simm.s32 @p1 $0x1;
	p0 =	seq.s32 s7, s2  }
0x1e: {  	s7 =	smul.u32 @!p0 $0xF7A, s2;
	p2 =	seq.s32 @!p0 s5, $0x0  }
0x1f: {  	s9 =	smul.u32 $0xF7A, s1;
	s8 =	simm.s32 @!p0 $0x1BF5;
	p2 =	por !p2, p0  }
0x20: {  	[sflag:s8] =	ssyncset.s32 @!p0 $0xFFFFF086;
	s6 =	sadd.s32 @!p0 s3, s7;
	s7 =	simm.s32 @!p0 $0x108  }
0x21: {  	s3 =	sadd.s32 s3, s9;
	s6 =	sadd.s32 @!p0 $0x88, s6;
	s7 =	simm.s32 @p2 $0x1082  }
0x22: {  	[simem:s7], [sflag:s8] =	dma.local @!p0 [hbm:s6], $0xF7A  }
0x23: {  	s9 =	sor.u32 $0xD0000000, s2;
	s6 =	simm.s32 $0x108;
	_ =	swait.ge @!p0 [sflag:s8], $0x0  }
0x24: {  	s3 =	sadd.s32 $0x88, s3;
	s6 =	simm.s32 @!p1 $0x1082;
	[sflag:s4] =	ssyncset.s32 $0xFFFFF086  }
0x25: {  	[simem:s6], [sflag:s4] =	dma.local [hbm:s3], $0xF7A  }
0x26: {  	[smem:$0x3F9F] =	sst s1;
	(tag) =	ssettag s2;
	_ =	strace s9  }
0x27: {  	s1 =	sld [smem:$0x3FAF]  }
0x28: {  	s2 =	sld [smem:$0x3FB0]  }
0x29: {  	s4 =	sld [smem:$0x3FB2]  }
0x2a: {  	p0 =	seq.s32 s5, $0x0;
	s5 =	sld [smem:$0x3FB3]  }
0x2b: {  	s6 =	sld [smem:$0x3FB4]  }
0x2c: {  	s7 =	sld [smem:$0x3FB5]  }
0x2d: {  	s3 =	simm.s32 $0x108;
	s8 =	sld [smem:$0x3FB6]  }
0x2e: {  	s3 =	simm.s32 @!p0 $0x1082;
	s9 =	sld [smem:$0x3FB7]  }
0x2f: {  	lr =	sadd.s32 s0, s3;
	s0 =	sld [smem:$0x3FAE]  }
0x30: {  	s3 =	sld [smem:$0x3FB1]  }
0x31: {  	[smem:$0x3FBA] =	sst s10  }
0x32: {  	s10 =	sld [smem:$0x3FB8];
	_ =	sdelay $0x3  }
0x33: {  	p0 =	seq.s32 s10, $0x1;
	s10 =	sld [smem:$0x3FBA];
	_ =	sdelay $0x3  }
0x34: {  	[smem:$0x3FBA] =	sst s10  }
0x35: {  	s10 =	sld [smem:$0x3FB9];
	_ =	sdelay $0x3  }
0x36: {  	p1 =	seq.s32 s10, $0x1;
	s10 =	sld [smem:$0x3FBA];
	_ =	sdelay $0x3  }
0x37: {  	[smem:$0x3FBA] =	sst s10  }
0x38: {  	s10 =	sld [smem:$0x3FBB]  }
0x39: {  	_ = 	snop;
	(pc) =	sbr.ind lr, $3  }
0x3a: {  	_ = 	snop  }
0x3b: {  	_ = 	snop  }
0x3c: {  	p2 =	seq.s32 s10, $0x1;
	s10 =	sld [smem:$0x3FBA]  }
0x3d: {  	_ =	shalt  }
0x3e: {  	_ =	shalt  }
0x3f: {  	_ =	shalt  }
0x40: {  	_ =	shalt  }
0x41: {  	_ =	shalt  }
0x42: {  	_ =	shalt  }
0x43: {  	_ =	shalt  }
0x44: {  	_ =	shalt  }
0x45: {  	_ =	shalt  }
0x46: {  	_ =	shalt  }
0x47: {  	_ =	shalt  }
0x48: {  	_ =	shalt  }
0x49: {  	_ =	shalt  }
0x4a: {  	_ =	shalt  }
0x4b: {  	_ =	shalt  }
0x4c: {  	_ =	shalt  }
0x4d: {  	_ =	shalt  }
0x4e: {  	_ =	shalt  }
0x4f: {  	_ =	shalt  }
0x50: {  	_ =	shalt  }
0x51: {  	_ =	shalt  }
0x52: {  	_ =	shalt  }
0x53: {  	_ =	shalt  }
0x54: {  	_ =	shalt  }
0x55: {  	_ =	shalt  }
0x56: {  	_ =	shalt  }
0x57: {  	_ =	shalt  }
0x58: {  	_ =	shalt  }
0x59: {  	_ =	shalt  }
0x5a: {  	_ =	shalt  }
0x5b: {  	_ =	shalt  }
0x5c: {  	_ =	shalt  }
0x5d: {  	_ =	shalt  }
0x5e: {  	_ =	shalt  }
0x5f: {  	_ =	shalt  }
0x60: {  	_ =	shalt  }
0x61: {  	_ =	shalt  }
0x62: {  	_ =	shalt  }
0x63: {  	_ =	shalt  }
0x64: {  	_ =	shalt  }
0x65: {  	_ =	shalt  }
0x66: {  	_ =	shalt  }
0x67: {  	_ =	shalt  }
0x68: {  	_ =	shalt  }
0x69: {  	_ =	shalt  }
0x6a: {  	_ =	shalt  }
0x6b: {  	_ =	shalt  }
0x6c: {  	_ =	shalt  }
0x6d: {  	_ =	shalt  }
0x6e: {  	_ =	shalt  }
0x6f: {  	_ =	shalt  }
0x70: {  	_ =	shalt  }
0x71: {  	_ =	shalt  }
0x72: {  	_ =	shalt  }
0x73: {  	_ =	shalt  }
0x74: {  	_ =	shalt  }
0x75: {  	_ =	shalt  }
0x76: {  	_ =	shalt  }
0x77: {  	_ =	shalt  }
0x78: {  	_ =	shalt  }
0x79: {  	_ =	shalt  }
0x7a: {  	_ =	shalt  }
0x7b: {  	_ =	shalt  }
0x7c: {  	_ =	shalt  }
0x7d: {  	_ =	shalt  }
0x7e: {  	_ =	shalt  }
0x7f: {  	_ =	shalt  }
0x80: {  	_ =	shalt  }
0x81: {  	_ =	shalt  }
0x82: {  	_ =	shalt  }
0x83: {  	_ =	shalt  }
0x84: {  	_ =	shalt  }
0x85: {  	_ =	shalt  }
0x86: {  	_ =	shalt  }
0x87: {  	_ =	shalt  }
.Lfunc_end0:
.L_simem_size_0:
called_computation_lowered:
.L_overlay_start_0:
0x88: {  	s2 =	sld [smem:$0x3FD9]  }
0x89: {  	s3 =	sld [smem:$0x3FFE];
	_ =	sdelay $0x1  }
0x8a: {  	s1 =	srdreg.scid  }
0x8b: {  	s0 =	sand.u32 $0x1, s1  }
0x8c: {  	s17 =	sshll.u32 s0, $0xA;
	s2 =	sadd.s32 s3, s2  }
0x8d: {  	s2 =	sadd.s32 s2, s17  }
0x8e: {  	[smem:$0x3FC6] =	sst s2  }
0x8f: {  	_ = 	snop  }
0x90: {  	s2 =	sld [smem:$0x3FC9]  }
0x91: {  	s18 =	sld [smem:$0x3FC8];
	(tm) =	ssettm $0x1  }
0x92: {  	s4 =	sld [smem:$0x3FFB];
	_ =	sdelay $0x3  }
0x93: {  	_ =	strace s4  }
0x94: {  	s4 =	sld [smem:$0x3FFC];
	_ =	sdelay $0x3  }
0x95: {  	_ =	strace s4  }
0x96: {  	s4 =	sld [smem:$0x3FFD];
	_ =	sdelay $0x3  }
0x97: {  	_ =	strace s4  }
0x98: {  	_ =	strace $0x8FFFFFFF  }
0x99: {  	s19 =	sld [smem:$0x3FDB];
	_ =	sdelay $0x1  }
0x9a: {  	s5 =	simm.s32 $_scs_section_size  }
0x9b: {  	s6 =	simm.s32 $_size__tile_overlayer_lowered;
	s7 =	simm.s32 $_tile_overlayer_lowered  }
0x9c: {  	s22 =	simm.s32 $0x1BFF;
	s21 =	sshll.u32 s7, $0x1;
	s4 =	sadd.s32 s5, s19  }
0x9d: {  	s8 =	simm.s32 $0x0;
	s20 =	sshll.u32 s6, $0x1;
	s6 =	sadd.s32 s21, s4  }
0x9e: {  	[timem:s8], [sflag:s22] =	dma.local [hbm:s6], s20  }
0x9f: {  	_ =	swait.ge [sflag:s22], s20  }
0xa0: {  	s5 =	ssub.s32 $0x0, s20;
	[sflag:s22] =	ssyncset.done $0x0  }
0xa1: {  	[sflag:s22] =	ssyncadd.s32 s5;
	_ =	sdelay $0x1  }
0xa2: {  	s23 =	simm.s32 $0x1B8B  }
0xa3: {  	_ =	swait.ge [sflag:s23], $0x1  }
0xa4: {  	[sflag:s23] =	ssyncset.done $0x0  }
0xa5: {  	s25 =	simm.s32 $0x1B8E;
	s24 =	sld [smem:$0x3FFE];
	[sflag:s23] =	ssyncadd.s32 $0xFFFFFFFF  }
0xa6: {  	s26 =	simm.s32 $execute0_lowered;
	[smem:$0x3FD2] =	sst s25  }
0xa7: {  	s6 =	sshll.u32 s26, $0x1;
	_ =	strace $0x80000046;
	[dreg:$0x1] =	wrdreg $0xFFFFFFFF  }
0xa8: {  	s28 =	simm.s32 $_size_execute0_lowered;
	s4 =	sadd.s32 s4, s6;
	[dreg:$0x0] =	wrdreg $0x0  }
0xa9: {  	s6 =	sshll.u32 s28, $0x1;
	[dreg:$0x2] =	wrdreg s4  }
0xaa: {  	[dreg:$0x3] =	wrdreg s6  }
0xab: {  	[dreg:$0x4] =	wrdreg $0xC0  }
0xac: {  	_ =	task [dreg:s8], $0x5FFFF  }
0xad: {  	[dreg:$0x1] =	wrdreg $0xFFFFFFFF  }
0xae: {  	[dreg:$0x0] =	wrdreg $0x60  }
0xaf: {  	[dreg:$0x2] =	wrdreg s18  }
0xb0: {  	[dreg:$0x3] =	wrdreg s2  }
0xb1: {  	[dreg:$0x4] =	wrdreg s24  }
0xb2: {  	[dreg:$0x5] =	wrdreg $0xC1800  }
0xb3: {  	[dreg:$0x6] =	wrdreg $0x9  }
0xb4: {  	_ =	task.clear_ibuf [dreg:s8], $0x7FFFF;
	_ =	strace $0x90000046  }
0xb5: {  	s29 =	simm.s32 $0x9;
	_ =	strace $0x80000048  }
0xb6: {  	_ =	swait.ge [sflag:s29], $0x1  }
0xb7: {  	[sflag:s29] =	ssyncadd.s32 $0xFFFFFFFF  }
0xb8: {  	_ =	strace $0x90000048  }
0xb9: {  	_ =	sfence  }
0xba: {  	s30 =	sld [smem:$0x0];
	_ =	sdelay $0x2  }
0xbb: {  	s31 =	sshll.u32 s1, $0xD;
	s1 =	sshrl.u32 s1, $0x2  }
0xbc: {  	s3 =	sand.u32 $0x4000, s31;
	s1 =	sadd.s32 s1, s30  }
0xbd: {  	s0 =	sor.u32 s3, s0;
	s1 =	sshll.u32 s1, $0x11  }
0xbe: {  	s0 =	sor.u32 s1, s0  }
0xbf: {  	s0 =	sadd.s32 $0x8F2B, s0  }
0xc0: {  	[sflag:s0] =	ssyncadd.remote.s32 $0x1  }
0xc1: {  	_ =	sfence.sel $0xFFFF  }
0xc2: {  	[dreg:$0x0] =	wrdreg $0xFFFFFFFF;
	(pc) =	sbr.abs _section_cstart, $3  }
0xc3: {  	[dreg:$0x1] =	wrdreg $0xFFFFFFFF  }
0xc4: {  	_ =	task.clear_ibuf [dreg:s8], $0x2FFFF;
	_ =	strace $0x9FFFFFFF  }
0xc5: {  	(tm) =	ssettm $0x7FFFFFFF  }
tec
execute0_lowered:
.L_overlay_start_1:
0x0: {  	(tag) =	ssettag $0x1  }
0x1: {  	s0 =	rddreg [dreg:$0x0]  }
0x2: {  	s2 =	rddreg [dreg:$0x1]  }
0x3: {  	s4 =	rddreg [dreg:$0x2]  }
0x4: {  	s1 =	rddreg [dreg:$0x3];
	s5 =	srdreg.scid;
	s3 =	simm.s32 $0x0  }
0x5: {  	s12 =	stileid.u32;
	s28 =	simm.s32 $0x8180;
	s29 =	simm.s32 $0x180  }
0x6: {  	s30 =	simm.s32 $0x4;
	s31 =	simm.s32 $0x1;
	s5 =	sand.u32 $0x1, s5  }
0x7: {  	[smem:$0x7FF] =	sst s3;
	s7 =	sshll.u32 s12, $0x1;
	s11 =	smul.u32 $0x4F000, s12  }
0x8: {  	s20 =	sshll.u32 s12, $0xC;
	s21 =	sshll.u32 s12, $0x8;
	p0 =	sgt.u32 s12, $0x1  }
0x9: {  	s6 =	smul.u32 $0x27800, s5;
	s8 =	ssub.s32 $0x2, s5;
	s7 =	sor.u32 s5, s7  }
0xa: {  	_ =	strace $0x80000047;
	s22 =	sshrl.u32 s8, $0x1;
	s10 =	sshll.u32 s7, $0x7  }
0xb: {  	s11 =	sshrl.u32 s11, $0x2;
	s16 =	sshll.u32 s7, $0x5;
	s17 =	sshll.u32 s7, $0xB  }
0xc: {  	s6 =	sadd.s32 s6, s4;
	s8 =	ssub.s32 s8, s22;
	s9 =	sor.u32 $0x1000, s10  }
0xd: {  	s4 =	sadd.s32 $0x10, s0;
	s25 =	sor.u32 $0x2000, s10;
	s10 =	sor.u32 $0x4E000, s10  }
0xe: {  	s22 =	sshll.u32 s5, $0x7;
	s5 =	sshll.u32 s5, $0xB;
	s23 =	sshrl.u32 s9, $0x2  }
0xf: {  	s9 =	sshll.u32 s9, $0x4;
	s26 =	sshrl.u32 s25, $0x2;
	s0 =	sadd.s32 s23, s4  }
0x10: {  	s18 =	sshrl.u32 s10, $0x2;
	s24 =	sadd.s32 s2, s9;
	[dreg:$0x5] =	wrdreg s0  }
0x11: {  	s19 =	sshll.u32 s10, $0x4;
	s9 =	sadd.s32 s26, s4;
	[dreg:$0x6] =	wrdreg s24  }
0x12: {  	s23 =	sor.u32 s22, s21;
	s0 =	sshll.u32 s25, $0x4;
	[dreg:$0x7] =	wrdreg s9  }
0x13: {  	s9 =	sadd.s32 s11, s1;
	s24 =	sor.u32 $0x5000, s23;
	s0 =	sadd.s32 s2, s0  }
0x14: {  	s10 =	sor.u32 $0x4000, s23;
	s13 =	sadd.s32 $0x4000, s9;
	[dreg:$0x8] =	wrdreg s0  }
0x15: {  	s22 =	sor.u32 $0x3000, s23;
	s14 =	sadd.s32 $0x8000, s9;
	[dreg:$0x9] =	wrdreg s13  }
0x16: {  	s23 =	simm.s32 $0x80;
	s15 =	sadd.s32 $0xC000, s9;
	[dreg:$0xa] =	wrdreg s14  }
0x17: {  	s25 =	sshrl.u32 s24, $0x2;
	s26 =	sshrl.u32 s10, $0x2;
	[dreg:$0xb] =	wrdreg s15  }
0x18: {  	s13 =	sadd.s32 $0x10000, s9;
	s14 =	sadd.s32 s16, s4;
	s15 =	sadd.s32 s2, s17  }
0x19: {  	s16 =	sadd.s32 s18, s4;
	s17 =	sadd.s32 s2, s19;
	s0 =	sadd.s32 $0x600, s6  }
0x1a: {  	s6 =	smul.u32 $0x2780, s12;
	s18 =	smax.u32 s8, $0x1;
	s2 =	sadd.s32 s20, s2  }
0x1b: {  	s20 =	sadd.s32 s25, s4;
	s21 =	sadd.s32 s26, s4;
	s25 =	simm.s32 $0x4180  }
0x1c: {  	s26 =	simm.s32 $0x100;
	s19 =	sadd.s32 s5, s2;
	s2 =	simm.s32 $0x3  }
0x1d: {  	v0 =	vimm.f32 $0.0e+00;
	s5 =	simm.s32 $0x0;
	s24 =	sadd.s32 s6, s0;
	s0 =	simm.s32 $0x2  }
.LBB2_1:
0x1e: {  	s6 =	rddreg [dreg:$0x5]  }
0x1f: {  	[tilespmem:s23], [sflag:$0x2] =	stream.linear.gather [hbm4b:s6+s3], $0x80, $0x38;
	[tilespmem:$0x1FD80] =	vst v63  }
0x20: {  	s10 =	rddreg [dreg:$0x6]  }
0x21: {  	[tilespmem:s25], [sflag:$0x2] =	stream.linear.gather [hbm4b:s10+s3], $0x4000, $0x38;
	[tilespmem:$0x1FD80] =	vst v63  }
0x22: {  	s11 =	rddreg [dreg:$0x7]  }
0x23: {  	[tilespmem:s26], [sflag:$0x3] =	stream.linear.gather [hbm4b:s11+s3], $0x80, $0x38;
	[tilespmem:$0x1FD80] =	vst v63  }
0x24: {  	s12 =	rddreg [dreg:$0x8];
	s7 =	simm.s32 $0x200;
	s6 =	simm.s32 $0x0  }
0x25: {  	[tilespmem:s28], [sflag:$0x3] =	stream.linear.gather [hbm4b:s12+s3], $0x4000, $0x38;
	[tilespmem:$0x1FD80] =	vst v63  }
.LBB2_2:
0x26: {  	p1 =	sne.s32 s7, $0xFE00;
	[tilespmem:s6+$0x1F0] =	vst v0  }
0x27: {  	[tilespmem:s6+$0x180] =	vst v0  }
0x28: {  	[tilespmem:s6+$0x190] =	vst v0  }
.Ltmp0:
0x29: {  	[tilespmem:s6+$0x1A0] =	vst v0;
	(pc) =	sbr.rel @p1 .LBB2_2-.Ltmp0, $4  }
0x2a: {  	[tilespmem:s6+$0x1B0] =	vst v0  }
0x2b: {  	[tilespmem:s6+$0x1C0] =	vst v0  }
0x2c: {  	[tilespmem:s6+$0x1D0] =	vst v0  }
0x2d: {  	[tilespmem:s6+$0x1E0] =	vst v0;
	s6 =	sshra.s32 s7, $0x2;
	s7 =	sadd.s32 $0x200, s7  }
0x2e: {  	[tilespmem:s6+$0x1F0] =	vst v0  }
0x2f: {  	[tilespmem:s6+$0x180] =	vst v0  }
0x30: {  	[tilespmem:s6+$0x190] =	vst v0  }
0x31: {  	[tilespmem:s6+$0x1A0] =	vst v0  }
0x32: {  	[tilespmem:s6+$0x1B0] =	vst v0  }
0x33: {  	[tilespmem:s6+$0x1C0] =	vst v0  }
0x34: {  	[tilespmem:s6+$0x1D0] =	vst v0  }
0x35: {  	[tilespmem:s6+$0x1E0] =	vst v0  }
0x36: {  	[spmem:s9] =	stream.linear.scatter [tilespmem:s29], [sflag:$0x4], $0x4000, $0x38;
	[tilespmem:$0x1FD80] =	vst v63  }
0x37: {  	_ =	swait.ge [sflag:s30], $0x4000  }
0x38: {  	[sflag:s30] =	ssyncset.done $0x0  }
0x39: {  	s11 =	rddreg [dreg:$0x9];
	[sflag:s30] =	ssyncadd.s32 $0xFFFFC000  }
0x3a: {  	[spmem:s11] =	stream.linear.scatter [tilespmem:s29], [sflag:$0x4], $0x4000, $0x38;
	[tilespmem:$0x1FD80] =	vst v63  }
0x3b: {  	_ =	swait.ge [sflag:s30], $0x4000  }
0x3c: {  	[sflag:s30] =	ssyncset.done $0x0  }
0x3d: {  	s12 =	rddreg [dreg:$0xa];
	[sflag:s30] =	ssyncadd.s32 $0xFFFFC000  }
0x3e: {  	[spmem:s12] =	stream.linear.scatter [tilespmem:s29], [sflag:$0x4], $0x4000, $0x38;
	[tilespmem:$0x1FD80] =	vst v63  }
0x3f: {  	_ =	swait.ge [sflag:s30], $0x4000  }
0x40: {  	[sflag:s30] =	ssyncset.done $0x0  }
0x41: {  	s7 =	rddreg [dreg:$0xb];
	[sflag:s30] =	ssyncadd.s32 $0xFFFFC000  }
0x42: {  	[spmem:s7] =	stream.linear.scatter [tilespmem:s29], [sflag:$0x4], $0x4000, $0x38;
	[tilespmem:$0x1FD80] =	vst v63  }
0x43: {  	_ =	swait.ge [sflag:s30], $0x4000  }
0x44: {  	[sflag:s30] =	ssyncset.done $0x0  }
0x45: {  	[sflag:s30] =	ssyncadd.s32 $0xFFFFC000  }
0x46: {  	[spmem:s13] =	stream.linear.scatter [tilespmem:s29], [sflag:$0x4], $0x3C00, $0x38;
	[tilespmem:$0x1FD80] =	vst v63  }
0x47: {  	_ =	swait.ge [sflag:s30], $0x3C00  }
0x48: {  	[sflag:s30] =	ssyncset.done $0x0  }
0x49: {  	s8 =	simm.s32 $0x0;
	[sflag:s30] =	ssyncadd.s32 $0xFFFFC400  }
0x4a: {  	[tilespmem:s8], [sflag:$0x1] =	stream.linear.gather [hbm4b:s14+s8], $0x80, $0x38;
	[tilespmem:$0x1FD80] =	vst v63  }
0x4b: {  	_ = 	snop  }
0x4c: {  	[tilespmem:s29], [sflag:$0x1] =	stream.linear.gather [hbm4b:s15+s8], $0x4000, $0x38;
	[tilespmem:$0x1FD80] =	vst v63  }
0x4d: {  	[bflag:$0x0] =	sbarrier.arrive $0xFFFF  }
0x4e: {  	_ =	swait.ge [sflag:s31], $0x80  }
0x4f: {  	[sflag:s31] =	ssyncset.done $0x0  }
0x50: {  	[sflag:s31] =	ssyncadd.s32 $0xFFFFFF80  }
0x51: {  	_ =	swait.ge [sflag:s31], $0x4000  }
0x52: {  	[sflag:s31] =	ssyncset.done $0x0  }
0x53: {  	[sflag:s31] =	ssyncadd.s32 $0xFFFFC000  }
0x54: {  	[spmem:s1] =	stream.indirect.scatter.add.f32 [tilespmem:s29], [sflag:$0x4], $0x80, s3, s23, $0xb8;
	[tilespmem:$0x1FD80] =	vst v63  }
0x55: {  	_ =	swait.ge [sflag:s30], $0x4000  }
0x56: {  	s10 =	sshrl.u32 s22, $0x2;
	[sflag:s30] =	ssyncset.done $0x0  }
0x57: {  	s6 =	sadd.s32 s4, s10;
	s8 =	sadd.s32 $0x0, s19;
	[sflag:s30] =	ssyncadd.s32 $0xFFFFC000  }
0x58: {  	[tilespmem:s3], [sflag:$0x1] =	stream.linear.gather [hbm4b:s6+s3], $0x80, $0x38;
	[tilespmem:$0x1FD80] =	vst v63  }
0x59: {  	s11 =	sadd.s32 $0x30000, s8  }
0x5a: {  	[tilespmem:s29], [sflag:$0x1] =	stream.linear.gather [hbm4b:s11+s3], $0x4000, $0x38;
	[tilespmem:$0x1FD80] =	vst v63  }
0x5b: {  	_ =	swait.ge [sflag:s0], $0x80  }
0x5c: {  	[sflag:s0] =	ssyncset.done $0x0  }
0x5d: {  	[sflag:s0] =	ssyncadd.s32 $0xFFFFFF80  }
0x5e: {  	_ =	swait.ge [sflag:s0], $0x4000  }
0x5f: {  	[sflag:s0] =	ssyncset.done $0x0  }
0x60: {  	[sflag:s0] =	ssyncadd.s32 $0xFFFFC000  }
0x61: {  	[spmem:s1] =	stream.indirect.scatter.add.f32 [tilespmem:s25], [sflag:$0x4], $0x80, s23, s23, $0xb8;
	[tilespmem:$0x1FD80] =	vst v63  }
0x62: {  	_ =	swait.ge [sflag:s30], $0x4000  }
0x63: {  	[sflag:s30] =	ssyncset.done $0x0  }
0x64: {  	[sflag:s30] =	ssyncadd.s32 $0xFFFFC000  }
0x65: {  	[tilespmem:s23], [sflag:$0x2] =	stream.linear.gather [hbm4b:s21+s3], $0x80, $0x38;
	[tilespmem:$0x1FD80] =	vst v63  }
0x66: {  	s12 =	sadd.s32 $0x40000, s8  }
0x67: {  	[tilespmem:s25], [sflag:$0x2] =	stream.linear.gather [hbm4b:s12+s3], $0x4000, $0x38;
	[tilespmem:$0x1FD80] =	vst v63  }
0x68: {  	_ =	swait.ge [sflag:s2], $0x80  }
0x69: {  	[sflag:s2] =	ssyncset.done $0x0  }
0x6a: {  	[sflag:s2] =	ssyncadd.s32 $0xFFFFFF80  }
0x6b: {  	_ =	swait.ge [sflag:s2], $0x4000  }
0x6c: {  	[sflag:s2] =	ssyncset.done $0x0  }
0x6d: {  	[sflag:s2] =	ssyncadd.s32 $0xFFFFC000  }
0x6e: {  	[spmem:s1] =	stream.indirect.scatter.add.f32 [tilespmem:s28], [sflag:$0x4], $0x80, s26, s23, $0xb8;
	[tilespmem:$0x1FD80] =	vst v63  }
0x6f: {  	s10 =	sadd.s32 $0xC00, s21;
	_ =	swait.ge [sflag:s30], $0x4000  }
0x70: {  	s7 =	sadd.s32 $0x3000, s22;
	s6 =	simm.s32 $0x30000;
	[sflag:s30] =	ssyncset.done $0x0  }
0x71: {  	s11 =	sadd.s32 $0x50000, s8;
	s8 =	sadd.s32 $0xC00, s20;
	[sflag:s30] =	ssyncadd.s32 $0xFFFFC000  }
0x72: {  	[tilespmem:s26], [sflag:$0x3] =	stream.linear.gather [hbm4b:s20+s3], $0x80, $0x38;
	[tilespmem:$0x1FD80] =	vst v63  }
.LBB2_4:
0x73: {  	[tilespmem:s28], [sflag:$0x3] =	stream.linear.gather [hbm4b:s11+s3], $0x4000, $0x38;
	[tilespmem:$0x1FD80] =	vst v63  }
0x74: {  	s11 =	smov.u32 s6  }
0x75: {  	p1 =	sne.s32 s6, $0x480000;
	s6 =	sadd.s32 $0x30000, s6;
	_ =	swait.ge [sflag:s31], $0x80  }
0x76: {  	[sflag:s31] =	ssyncset.done $0x0  }
0x77: {  	[sflag:s31] =	ssyncadd.s32 $0xFFFFFF80  }
0x78: {  	_ =	swait.ge [sflag:s31], $0x4000  }
0x79: {  	[sflag:s31] =	ssyncset.done $0x0  }
0x7a: {  	[sflag:s31] =	ssyncadd.s32 $0xFFFFC000  }
0x7b: {  	[spmem:s1] =	stream.indirect.scatter.add.f32 [tilespmem:s29], [sflag:$0x4], $0x80, s3, s23, $0xb8;
	[tilespmem:$0x1FD80] =	vst v63  }
0x7c: {  	_ =	swait.ge [sflag:s30], $0x4000  }
0x7d: {  	s12 =	sshrl.u32 s7, $0x2;
	[sflag:s30] =	ssyncset.done $0x0  }
0x7e: {  	s12 =	sadd.s32 s4, s12;
	s11 =	sadd.s32 s11, s19;
	[sflag:s30] =	ssyncadd.s32 $0xFFFFC000  }
0x7f: {  	[tilespmem:s3], [sflag:$0x1] =	stream.linear.gather [hbm4b:s12+s3], $0x80, $0x38;
	[tilespmem:$0x1FD80] =	vst v63  }
0x80: {  	s12 =	sadd.s32 $0x30000, s11  }
0x81: {  	[tilespmem:s29], [sflag:$0x1] =	stream.linear.gather [hbm4b:s12+s3], $0x4000, $0x38;
	[tilespmem:$0x1FD80] =	vst v63  }
0x82: {  	_ =	swait.ge [sflag:s0], $0x80  }
0x83: {  	[sflag:s0] =	ssyncset.done $0x0  }
0x84: {  	[sflag:s0] =	ssyncadd.s32 $0xFFFFFF80  }
0x85: {  	_ =	swait.ge [sflag:s0], $0x4000  }
0x86: {  	[sflag:s0] =	ssyncset.done $0x0  }
0x87: {  	[sflag:s0] =	ssyncadd.s32 $0xFFFFC000  }
0x88: {  	[spmem:s1] =	stream.indirect.scatter.add.f32 [tilespmem:s25], [sflag:$0x4], $0x80, s23, s23, $0xb8;
	[tilespmem:$0x1FD80] =	vst v63  }
0x89: {  	_ =	swait.ge [sflag:s30], $0x4000  }
0x8a: {  	[sflag:s30] =	ssyncset.done $0x0  }
0x8b: {  	[sflag:s30] =	ssyncadd.s32 $0xFFFFC000  }
0x8c: {  	[tilespmem:s23], [sflag:$0x2] =	stream.linear.gather [hbm4b:s10+s3], $0x80, $0x38;
	[tilespmem:$0x1FD80] =	vst v63  }
0x8d: {  	s12 =	sadd.s32 $0x40000, s11  }
0x8e: {  	[tilespmem:s25], [sflag:$0x2] =	stream.linear.gather [hbm4b:s12+s3], $0x4000, $0x38;
	[tilespmem:$0x1FD80] =	vst v63  }
0x8f: {  	_ =	swait.ge [sflag:s2], $0x80  }
0x90: {  	[sflag:s2] =	ssyncset.done $0x0  }
0x91: {  	[sflag:s2] =	ssyncadd.s32 $0xFFFFFF80  }
0x92: {  	_ =	swait.ge [sflag:s2], $0x4000  }
0x93: {  	[sflag:s2] =	ssyncset.done $0x0  }
0x94: {  	[sflag:s2] =	ssyncadd.s32 $0xFFFFC000  }
0x95: {  	[spmem:s1] =	stream.indirect.scatter.add.f32 [tilespmem:s28], [sflag:$0x4], $0x80, s26, s23, $0xb8;
	[tilespmem:$0x1FD80] =	vst v63  }
.Ltmp1:
0x96: {  	_ =	swait.ge [sflag:s30], $0x4000;
	(pc) =	sbr.rel @p1 .LBB2_4-.Ltmp1, $4  }
0x97: {  	[sflag:s30] =	ssyncset.done $0x0  }
0x98: {  	s7 =	sadd.s32 $0x3000, s7;
	[sflag:s30] =	ssyncadd.s32 $0xFFFFC000  }
0x99: {  	[tilespmem:s26], [sflag:$0x3] =	stream.linear.gather [hbm4b:s8+s3], $0x80, $0x38;
	[tilespmem:$0x1FD80] =	vst v63  }
0x9a: {  	s11 =	sadd.s32 $0x50000, s11;
	s10 =	sadd.s32 $0xC00, s10;
	s8 =	sadd.s32 $0xC00, s8  }
0x9b: {  	[tilespmem:s28], [sflag:$0x3] =	stream.linear.gather [hbm4b:s11+s3], $0x4000, $0x38;
	[tilespmem:$0x1FD80] =	vst v63  }
0x9c: {  	_ =	swait.ge [sflag:s31], $0x80  }
0x9d: {  	[sflag:s31] =	ssyncset.done $0x0  }
0x9e: {  	[sflag:s31] =	ssyncadd.s32 $0xFFFFFF80  }
0x9f: {  	_ =	swait.ge [sflag:s31], $0x4000  }
0xa0: {  	[sflag:s31] =	ssyncset.done $0x0  }
0xa1: {  	[sflag:s31] =	ssyncadd.s32 $0xFFFFC000  }
0xa2: {  	[spmem:s1] =	stream.indirect.scatter.add.f32 [tilespmem:s29], [sflag:$0x4], $0x80, s3, s23, $0xb8;
	[tilespmem:$0x1FD80] =	vst v63  }
0xa3: {  	_ =	swait.ge [sflag:s30], $0x4000  }
0xa4: {  	[sflag:s30] =	ssyncset.done $0x0  }
0xa5: {  	[sflag:s30] =	ssyncadd.s32 $0xFFFFC000  }
0xa6: {  	_ =	swait.ge [sflag:s0], $0x80  }
0xa7: {  	[sflag:s0] =	ssyncset.done $0x0  }
0xa8: {  	[sflag:s0] =	ssyncadd.s32 $0xFFFFFF80  }
0xa9: {  	_ =	swait.ge [sflag:s0], $0x4000  }
0xaa: {  	[sflag:s0] =	ssyncset.done $0x0  }
0xab: {  	[sflag:s0] =	ssyncadd.s32 $0xFFFFC000  }
0xac: {  	[spmem:s1] =	stream.indirect.scatter.add.f32 [tilespmem:s25], [sflag:$0x4], $0x80, s23, s23, $0xb8;
	[tilespmem:$0x1FD80] =	vst v63  }
0xad: {  	_ =	swait.ge [sflag:s30], $0x4000  }
0xae: {  	[sflag:s30] =	ssyncset.done $0x0  }
0xaf: {  	[sflag:s30] =	ssyncadd.s32 $0xFFFFC000  }
0xb0: {  	_ =	swait.ge [sflag:s2], $0x80  }
0xb1: {  	[sflag:s2] =	ssyncset.done $0x0  }
0xb2: {  	[sflag:s2] =	ssyncadd.s32 $0xFFFFFF80  }
0xb3: {  	_ =	swait.ge [sflag:s2], $0x4000  }
0xb4: {  	[sflag:s2] =	ssyncset.done $0x0  }
0xb5: {  	[sflag:s2] =	ssyncadd.s32 $0xFFFFC000  }
0xb6: {  	[spmem:s1] =	stream.indirect.scatter.add.f32 [tilespmem:s28], [sflag:$0x4], $0x80, s26, s23, $0xb8;
	[tilespmem:$0x1FD80] =	vst v63  }
0xb7: {  	_ =	swait.ge [sflag:s30], $0x4000  }
0xb8: {  	[sflag:s30] =	ssyncset.done $0x0  }
0xb9: {  	s6 =	simm.s32 @!p0 $0x0;
	s7 =	simm.s32 @!p0 $0x4;
	[sflag:s30] =	ssyncadd.s32 $0xFFFFC000  }
0xba: {  	[tilespmem:s6], [sflag:$0x4] =	stream.linear.gather @!p0 [hbm4b:s16+s6], $0x80, $0x38;
	[tilespmem:$0x1FD80] =	vst v63  }
0xbb: {  	_ =	swait.ge @!p0 [sflag:s7], $0x80  }
0xbc: {  	[sflag:s7] =	ssyncset.done @!p0 $0x0  }
0xbd: {  	s8 =	simm.s32 @!p0 $0x180;
	[sflag:s7] =	ssyncadd.s32 @!p0 $0xFFFFFF80  }
0xbe: {  	[tilespmem:s8], [sflag:$0x4] =	stream.linear.gather @!p0 [hbm4b:s17+s6], $0x4000, $0x38;
	[tilespmem:$0x1FD80] =	vst v63  }
0xbf: {  	_ =	swait.ge @!p0 [sflag:s7], $0x4000  }
0xc0: {  	[sflag:s7] =	ssyncset.done @!p0 $0x0  }
0xc1: {  	s10 =	simm.s32 @!p0 $0x80;
	[sflag:s7] =	ssyncadd.s32 @!p0 $0xFFFFC000  }
0xc2: {  	[spmem:s1] =	stream.indirect.scatter.add.f32 @!p0 [tilespmem:s8], [sflag:$0x4], $0x80, s6, s10, $0xb8;
	[tilespmem:$0x1FD80] =	vst v63  }
0xc3: {  	s11 =	stileid.u32;
	_ =	swait.ge @!p0 [sflag:s7], $0x4000  }
0xc4: {  	s12 =	sshrl.u32 s9, $0x3;
	s5 =	sadd.s32 $0x1, s5;
	[sflag:s7] =	ssyncset.done @!p0 $0x0  }
0xc5: {  	p1 =	sne.s32 s5, s18;
	s6 =	sshll.u32 s11, $0x6;
	[sflag:s7] =	ssyncadd.s32 @!p0 $0xFFFFC000  }
.Ltmp2:
0xc6: {  	s6 =	sor.u32 $0x1C04, s6;
	[bflag:$0x0] =	sbarrier.arrive $0xFFFF;
	(pc) =	sbr.rel @p1 .LBB2_1-.Ltmp2, $4  }
0xc7: {  	[hbm:s24], [sflag:s6] =	dma.local [spmem:s12], $0x2780  }
0xc8: {  	_ =	swait.ge [sflag:s30], $0x2780  }
0xc9: {  	[sflag:s30] =	ssyncset.done $0x0  }
0xca: {  	[sflag:s30] =	ssyncadd.s32 $0xFFFFD880  }
0xcb: {  	_ =	sfence.sel $0x180000  }
0xcc: {  	[bflag:$0x0] =	sbarrier.arrive $0xFFFF  }
0xcd: {  	_ =	strace $0x90000047  }
0xce: {  	s0 =	stileid.u32;
	[bflag:$0x2] =	sbarrier.arrive $0xFFFF  }
0xcf: {  	p0 =	sne.s32 s0, $0x0;
	s0 =	rddreg [dreg:$0x4]  }
0xd0: {  	s0 =	sadd.s32 @!p0 $0x100000, s0  }
0xd1: {  	[sflag:s0] =	ssyncadd.tile.s32 @!p0 $0x1;
	_ =	shalt  }
.Lfunc_end2:
_tile_overlayer_lowered:
.L_overlay_start_2:
0xd2: {  	(tag) =	ssettag $0x2  }
0xd3: {  	s0 =	rddreg [dreg:$0x0];
	s2 =	stileid.u32  }
0xd4: {  	s1 =	rddreg [dreg:$0x1];
	p0 =	sne.s32 s2, $0x0  }
0xd5: {  	s3 =	rddreg [dreg:$0x2];
	[bflag:$0x3] =	sbarrier.arrive $0xFFFF;
	s2 =	simm.s32 @!p0 $0x1C04  }
0xd6: {  	[timem:s3], [sflag:s2] =	dma.local @!p0 [hbm:s0], s1  }
0xd7: {  	s0 =	simm.s32 @!p0 $0x4  }
0xd8: {  	_ =	swait.ge @!p0 [sflag:s0], s1  }
0xd9: {  	s1 =	ssub.s32 @!p0 $0x0, s1;
	[sflag:s0] =	ssyncset.done @!p0 $0x0  }
0xda: {  	[sflag:s0] =	ssyncadd.s32 @!p0 s1  }
0xdb: {  	[bflag:$0x3] =	sbarrier.arrive $0xFFFF  }
0xdc: {  	_ =	shalt  }

</sc_bundles>
